<compile_context>
chip_gen: v7x
topology: tpu7x:2x2x1
jax: 0.10.2.dev20260603
libtpu: 0.0.44.dev20260713+nightly
codegen_flags: <defaults>
</compile_context>

<pallas_src>
import functools

import jax
import jax.numpy as jnp
from jax import lax
from jax.experimental import pallas as pl
from jax.experimental.pallas import tpu as pltpu
from jax.experimental.pallas import tpu_sc as plsc

B, H, K, D = 8192, 4, 1024, 256
BM = 2048
S = 1
BS = B // S
GRID = BS // BM

NW = 32
TPW = BS // 8
CH = 128
NCH = TPW // CH


def _tc_body(z_ref, cb_ref, idx_ref, flat_ref, loss_ref, table_ref, c2_ref):
    i = pl.program_id(0)

    @pl.when(i == 0)
    def _init():
        loss_ref[...] = jnp.zeros_like(loss_ref)
        for h in range(H):
            ch = cb_ref[h]
            c2_ref[h:h + 1, :] = jnp.sum(ch * ch, axis=1)[None, :]
            table_ref[h * K:(h + 1) * K, :] = ch
    total = jnp.float32(0.0)
    for h in range(H):
        zh = z_ref[:, h * D:(h + 1) * D]
        ch = cb_ref[h]
        dotn = lax.dot_general(
            zh * (-2.0), ch, (((1,), (1,)), ((), ())),
            preferred_element_type=jnp.float32)
        z2 = jnp.sum(zh * zh, axis=1, keepdims=True)
        dist = (z2 + c2_ref[h:h + 1, :]) + dotn
        m = jnp.min(dist, axis=1, keepdims=True)
        iota = lax.broadcasted_iota(jnp.int32, (BM, K), 1)
        idxh = jnp.min(jnp.where(dist == m, iota, K), axis=1, keepdims=True)
        idx_ref[:, h:h + 1] = idxh
        flat_ref[:, h:h + 1] = idxh + h * K
        total = total + jnp.sum(m)

    loss_ref[...] += jnp.broadcast_to(total * (1.0 / 1024.0), (8, 128))


@functools.cache
def _make_sc_gather():
    mesh = plsc.VectorSubcoreMesh(core_axis_name="c", subcore_axis_name="s")

    @functools.partial(
        pl.kernel,
        mesh=mesh,
        out_type=jax.ShapeDtypeStruct((BS, H * D), jnp.float32),
        scratch_types=[
            pltpu.VMEM((CH,), jnp.int32),
            pltpu.VMEM((CH,), jnp.int32),
            pltpu.VMEM((CH, D), jnp.float32),
            pltpu.VMEM((CH, D), jnp.float32),
            pltpu.SemaphoreType.DMA,
            pltpu.SemaphoreType.DMA,
            pltpu.SemaphoreType.DMA,
            pltpu.SemaphoreType.DMA,
        ],
    )
    def _sc_gather(table_hbm, idxt_hbm, out_hbm,
                   idx_a, idx_b, rows_a, rows_b, gs_a, gs_b, os_a, os_b):
        wid = lax.axis_index("s") * 2 + lax.axis_index("c")
        h = wid // 8
        tok0 = (wid % 8) * TPW
        ibase = h * BS + tok0
        col = h * D
        idx_v = (idx_a, idx_b)
        rows_v = (rows_a, rows_b)
        gsem = (gs_a, gs_b)
        osem = (os_a, os_b)
        gathers = [None, None]
        writes = [None, None]
        pltpu.sync_copy(idxt_hbm.at[pl.ds(ibase, CH)], idx_a)
        gathers[0] = pltpu.async_copy(table_hbm.at[idx_a], rows_a, gs_a)
        for c in range(NCH):
            p = c % 2
            q = (c + 1) % 2
            gathers[p].wait()
            writes[p] = pltpu.async_copy(
                rows_v[p],
                out_hbm.at[pl.ds(tok0 + c * CH, CH), pl.ds(col, D)],
                osem[p])
            if c + 1 < NCH:
                pltpu.sync_copy(
                    idxt_hbm.at[pl.ds(ibase + (c + 1) * CH, CH)], idx_v[q])
                if writes[q] is not None:
                    writes[q].wait()
                gathers[q] = pltpu.async_copy(
                    table_hbm.at[idx_v[q]], rows_v[q], gsem[q])
        writes[0].wait()
        writes[1].wait()

    return _sc_gather


def _tc_score(z_slice, codebooks):
    return pl.pallas_call(
        _tc_body,
        grid=(GRID,),
        in_specs=[
            pl.BlockSpec((BM, H * D), lambda i: (i, 0)),
            pl.BlockSpec((H, K, D), lambda i: (0, 0, 0)),
        ],
        out_specs=[
            pl.BlockSpec((BM, H), lambda i: (i, 0)),
            pl.BlockSpec((BM, H), lambda i: (i, 0)),
            pl.BlockSpec((8, 128), lambda i: (0, 0)),
            pl.BlockSpec((H * K, D), lambda i: (0, 0)),
        ],
        out_shape=[
            jax.ShapeDtypeStruct((BS, H), jnp.int32),
            jax.ShapeDtypeStruct((BS, H), jnp.int32),
            jax.ShapeDtypeStruct((8, 128), jnp.float32),
            jax.ShapeDtypeStruct((H * K, D), jnp.float32),
        ],
        scratch_shapes=[
            pltpu.VMEM((H, K), jnp.float32),
        ],
    )(z_slice, codebooks)


def kernel(z, codebooks):
    gather = _make_sc_gather()
    idxs, zqs, loss_parts = [], [], []
    for s in range(S):
        idx_s, flat_s, loss_s, table = _tc_score(
            lax.slice_in_dim(z, s * BS, (s + 1) * BS), codebooks)
        flat_t = flat_s.T.reshape(BS * H)
        zqs.append(gather(table, flat_t))
        idxs.append(idx_s)
        loss_parts.append(loss_s)
    z_q = jnp.concatenate(zqs, axis=0) if S > 1 else zqs[0]
    idx = jnp.concatenate(idxs, axis=0) if S > 1 else idxs[0]
    loss_sum = loss_parts[0]
    for extra in loss_parts[1:]:
        loss_sum = loss_sum + extra
    commit_loss = jnp.sum(loss_sum) * (1.0 / (B * H * D))
    return z_q, idx, commit_loss

# --- scband reference (transcript-rebuilt; emitter-appended) ---
"""Pipeline reference for scband-product-quantizer-89601607729713 (READ-ONLY COPY).

The authoritative reference and input builder live on the scoring server;
editing this copy changes nothing except your own understanding.
"""

import jax, jax.numpy as jnp
import numpy as np

NUM_HEADS = 4
CODEBOOK_SIZE = 1024
HEAD_DIM = 256
B = 8192


def setup_inputs(seed: int = 0) -> dict:
    key = jax.random.key(seed)
    k1, k2 = jax.random.split(key)
    z = jax.random.normal(k1, (B, NUM_HEADS * HEAD_DIM), dtype=jnp.float32)
    codebooks = jax.random.normal(k2, (NUM_HEADS, CODEBOOK_SIZE, HEAD_DIM), dtype=jnp.float32) * 0.01
    return {"z": z, "codebooks": codebooks}


def reference(z, codebooks):
    Bn = z.shape[0]
    H, K, D = codebooks.shape
    z_heads = z.reshape(Bn, H, D)
    # squared euclidean distances [B, H, K] (argmin is same as for cdist p=2)
    z2 = jnp.sum(z_heads ** 2, axis=-1, keepdims=True)            # [B, H, 1]
    c2 = jnp.sum(codebooks ** 2, axis=-1)                          # [H, K]
    cross = jnp.einsum('bhd,hkd->bhk', z_heads, codebooks)         # [B, H, K]
    dist2 = z2 + c2[None, :, :] - 2.0 * cross
    idx = jnp.argmin(dist2, axis=-1)                               # [B, H] int
    # gather codes per head: codebooks[h, idx[b,h]]
    z_q_heads = codebooks[jnp.arange(H)[None, :], idx]             # [B, H, D]
    # commitment loss: mean over heads of per-head MSE == overall MSE (equal sizes)
    commit_loss = jnp.mean((z_heads - jax.lax.stop_gradient(z_q_heads)) ** 2)
    # straight-through estimator
    z_q_st = z_heads + jax.lax.stop_gradient(z_q_heads - z_heads)
    z_q = z_q_st.reshape(Bn, H * D)
    return z_q, idx, commit_loss

if __name__ == "__main__":
    import jax
    _d = setup_inputs()
    print(jax.jit(kernel)(*tuple(_d.values())))

</pallas_src>

<mosaic_0001>
#map = affine_map<(d0, d1) -> (0, 0)>
#map1 = affine_map<(d0, d1) -> (0)>
module attributes {stable_mosaic.version = 14 : i64} {
  func.func @_sc_gather(%arg0: i32, %arg1: i32, %arg2: memref<4096x256xf32, #tpu.memory_space<hbm>>, %arg3: memref<32768xi32, #tpu.memory_space<hbm>>, %arg4: memref<8192x1024xf32, #tpu.memory_space<hbm>>, %arg5: memref<128xi32, #tpu.memory_space<vmem>>, %arg6: memref<128xi32, #tpu.memory_space<vmem>>, %arg7: memref<128x256xf32, #tpu.memory_space<vmem>>, %arg8: memref<128x256xf32, #tpu.memory_space<vmem>>, %arg9: memref<!tpu.dma_semaphore, #tpu.memory_space<semaphore_mem>>, %arg10: memref<!tpu.dma_semaphore, #tpu.memory_space<semaphore_mem>>, %arg11: memref<!tpu.dma_semaphore, #tpu.memory_space<semaphore_mem>>, %arg12: memref<!tpu.dma_semaphore, #tpu.memory_space<semaphore_mem>>) attributes {dimension_semantics = [#tpu.dimension_semantics<core_parallel>, #tpu.dimension_semantics<subcore_parallel>], iteration_bounds = array<i64: 2, 16>, scalar_prefetch = 0 : i64, scratch_operands = 8 : i64, tpu.core_type = #tpu.core_type<sc_vector_subcore>, window_params = [{transform_indices = #map}, {transform_indices = #map1}, {transform_indices = #map}]} {
    %mul3A = arith.constant 2 : i32
    %mul3A_0 = arith.muli %arg1, %mul3A : i32
    %add3A = arith.addi %mul3A_0, %arg0 : i32
    %jit3A = arith.constant 8 : i32
    %div3A = arith.divsi %add3A, %jit3A : i32
    %sign3A = arith.constant 0 : i32
    %sign3A_1 = arith.cmpi sgt, %add3A, %sign3A : i32
    %sign3A_2 = arith.extui %sign3A_1 : i1 to i32
    %sign3A_3 = arith.constant 0 : i32
    %sign3A_4 = arith.cmpi slt, %add3A, %sign3A_3 : i32
    %sign3A_5 = arith.extui %sign3A_4 : i1 to i32
    %sign3A_6 = arith.subi %sign3A_2, %sign3A_5 : i32
    %sign3A_7 = arith.constant 0 : i32
    %sign3A_8 = arith.cmpi sgt, %jit3A, %sign3A_7 : i32
    %sign3A_9 = arith.extui %sign3A_8 : i1 to i32
    %sign3A_10 = arith.constant 0 : i32
    %sign3A_11 = arith.cmpi slt, %jit3A, %sign3A_10 : i32
    %sign3A_12 = arith.extui %sign3A_11 : i1 to i32
    %sign3A_13 = arith.subi %sign3A_9, %sign3A_12 : i32
    %ne3A = arith.cmpi ne, %sign3A_6, %sign3A_13 : i32
    %rem3A = arith.remsi %add3A, %jit3A : i32
    %ne3A_14 = arith.constant 0 : i32
    %ne3A_15 = arith.cmpi ne, %rem3A, %ne3A_14 : i32
    %and3A = arith.andi %ne3A, %ne3A_15 : i1
    %sub3A = arith.constant 1 : i32
    %sub3A_16 = arith.subi %div3A, %sub3A : i32
    %select_n3A = arith.select %and3A, %sub3A_16, %div3A : i32
    %jit3A_17 = arith.constant 8 : i32
    %eq3A = arith.constant 0 : i32
    %eq3A_18 = arith.cmpi eq, %jit3A_17, %eq3A : i32
    %jit3A_19 = arith.constant 1 : i32
    %select_n3A_20 = arith.select %eq3A_18, %jit3A_19, %jit3A_17 : i32
    %rem3A_21 = arith.remsi %add3A, %select_n3A_20 : i32
    %ne3A_22 = arith.constant 0 : i32
    %ne3A_23 = arith.cmpi ne, %rem3A_21, %ne3A_22 : i32
    %lt3A = arith.constant 0 : i32
    %lt3A_24 = arith.cmpi slt, %rem3A_21, %lt3A : i32
    %lt3A_25 = arith.constant 0 : i32
    %lt3A_26 = arith.cmpi slt, %select_n3A_20, %lt3A_25 : i32
    %ne3A_27 = arith.xori %lt3A_24, %lt3A_26 : i1
    %and3A_28 = arith.andi %ne3A_27, %ne3A_23 : i1
    %add3A_29 = arith.addi %rem3A_21, %select_n3A_20 : i32
    %select_n3A_30 = arith.select %and3A_28, %add3A_29, %rem3A_21 : i32
    %mul3A_31 = arith.constant 1024 : i32
    %mul3A_32 = arith.muli %select_n3A_30, %mul3A_31 : i32
    %mul3A_33 = arith.constant 8192 : i32
    %mul3A_34 = arith.muli %select_n3A, %mul3A_33 : i32
    %add3A_35 = arith.addi %mul3A_34, %mul3A_32 : i32
    %mul3A_36 = arith.constant 256 : i32
    %mul3A_37 = arith.muli %select_n3A, %mul3A_36 : i32
    "tpu.region"() ({
      %run_scoped3A = tpu.sem_alloc : memref<!tpu.dma_semaphore, #tpu.memory_space<semaphore_mem>>
      %dma_start3A_146 = tpu.memref_slice %arg3[%add3A_35] : memref<32768xi32, #tpu.memory_space<hbm>> -> memref<128xi32, #tpu.memory_space<hbm>>
      %dma_start3A_147 = tpu.memref_slice %arg3[%add3A_35] : memref<32768xi32, #tpu.memory_space<hbm>> -> memref<128xi32, #tpu.memory_space<hbm>>
      tpu.enqueue_dma source(%dma_start3A_147 : memref<128xi32, #tpu.memory_space<hbm>>) target(%arg5 : memref<128xi32, #tpu.memory_space<vmem>>) target_semaphore(%run_scoped3A : memref<!tpu.dma_semaphore, #tpu.memory_space<semaphore_mem>>)
      %dma_wait3A_148 = tpu.memref_slice %arg3[%add3A_35] : memref<32768xi32, #tpu.memory_space<hbm>> -> memref<128xi32, #tpu.memory_space<hbm>>
      %dma_wait3A_149 = tpu.memref_slice %arg3[%add3A_35] : memref<32768xi32, #tpu.memory_space<hbm>> -> memref<128xi32, #tpu.memory_space<hbm>>
      tpu.wait_dma2 semaphore(%run_scoped3A : memref<!tpu.dma_semaphore, #tpu.memory_space<semaphore_mem>>) src(%dma_wait3A_149 : memref<128xi32, #tpu.memory_space<hbm>>) dst(%arg5 : memref<128xi32, #tpu.memory_space<vmem>>)
      tpu.yield
    }) : () -> ()
    %dma_start3A = arith.constant 0 : i32
    %dma_start3A_38 = arith.constant 0 : i32
    %dma_start3A_39 = tpu.memref_slice %arg2[%dma_start3A, %dma_start3A_38] : memref<4096x256xf32, #tpu.memory_space<hbm>> -> memref<4096x256xf32, #tpu.memory_space<hbm>>
    tpu.enqueue_indirect_dma source(%dma_start3A_39 : memref<4096x256xf32, #tpu.memory_space<hbm>>) target(%arg7 : memref<128x256xf32, #tpu.memory_space<vmem>>) offsets(%arg5 : memref<128xi32, #tpu.memory_space<vmem>>) semaphore(%arg9 : memref<!tpu.dma_semaphore, #tpu.memory_space<semaphore_mem>>)
    %dma_wait3A = arith.constant 0 : i32
    %dma_wait3A_40 = arith.constant 0 : i32
    %dma_wait3A_41 = tpu.memref_slice %arg2[%dma_wait3A, %dma_wait3A_40] : memref<4096x256xf32, #tpu.memory_space<hbm>> -> memref<4096x256xf32, #tpu.memory_space<hbm>>
    tpu.wait_indirect_dma semaphore(%arg9 : memref<!tpu.dma_semaphore, #tpu.memory_space<semaphore_mem>>) src(%dma_wait3A_41 : memref<4096x256xf32, #tpu.memory_space<hbm>>) dst(%arg7 : memref<128x256xf32, #tpu.memory_space<vmem>>)
    %add3A_42 = arith.constant 0 : i32
    %add3A_43 = arith.addi %mul3A_32, %add3A_42 : i32
    %dma_start3A_44 = tpu.memref_slice %arg4[%add3A_43, %mul3A_37] : memref<8192x1024xf32, #tpu.memory_space<hbm>> -> memref<128x256xf32, #tpu.memory_space<hbm>>
    %dma_start3A_45 = tpu.memref_slice %arg4[%add3A_43, %mul3A_37] : memref<8192x1024xf32, #tpu.memory_space<hbm>> -> memref<128x256xf32, #tpu.memory_space<hbm>>
    tpu.enqueue_dma source(%arg7 : memref<128x256xf32, #tpu.memory_space<vmem>>) target(%dma_start3A_45 : memref<128x256xf32, #tpu.memory_space<hbm>>) target_semaphore(%arg11 : memref<!tpu.dma_semaphore, #tpu.memory_space<semaphore_mem>>)
    %add3A_46 = arith.constant 128 : i32
    %add3A_47 = arith.addi %add3A_35, %add3A_46 : i32
    "tpu.region"() ({
      %run_scoped3A = tpu.sem_alloc : memref<!tpu.dma_semaphore, #tpu.memory_space<semaphore_mem>>
      %dma_start3A_146 = tpu.memref_slice %arg3[%add3A_47] : memref<32768xi32, #tpu.memory_space<hbm>> -> memref<128xi32, #tpu.memory_space<hbm>>
      %dma_start3A_147 = tpu.memref_slice %arg3[%add3A_47] : memref<32768xi32, #tpu.memory_space<hbm>> -> memref<128xi32, #tpu.memory_space<hbm>>
      tpu.enqueue_dma source(%dma_start3A_147 : memref<128xi32, #tpu.memory_space<hbm>>) target(%arg6 : memref<128xi32, #tpu.memory_space<vmem>>) target_semaphore(%run_scoped3A : memref<!tpu.dma_semaphore, #tpu.memory_space<semaphore_mem>>)
      %dma_wait3A_148 = tpu.memref_slice %arg3[%add3A_47] : memref<32768xi32, #tpu.memory_space<hbm>> -> memref<128xi32, #tpu.memory_space<hbm>>
      %dma_wait3A_149 = tpu.memref_slice %arg3[%add3A_47] : memref<32768xi32, #tpu.memory_space<hbm>> -> memref<128xi32, #tpu.memory_space<hbm>>
      tpu.wait_dma2 semaphore(%run_scoped3A : memref<!tpu.dma_semaphore, #tpu.memory_space<semaphore_mem>>) src(%dma_wait3A_149 : memref<128xi32, #tpu.memory_space<hbm>>) dst(%arg6 : memref<128xi32, #tpu.memory_space<vmem>>)
      tpu.yield
    }) : () -> ()
    %dma_start3A_48 = arith.constant 0 : i32
    %dma_start3A_49 = arith.constant 0 : i32
    %dma_start3A_50 = tpu.memref_slice %arg2[%dma_start3A_48, %dma_start3A_49] : memref<4096x256xf32, #tpu.memory_space<hbm>> -> memref<4096x256xf32, #tpu.memory_space<hbm>>
    tpu.enqueue_indirect_dma source(%dma_start3A_50 : memref<4096x256xf32, #tpu.memory_space<hbm>>) target(%arg8 : memref<128x256xf32, #tpu.memory_space<vmem>>) offsets(%arg6 : memref<128xi32, #tpu.memory_space<vmem>>) semaphore(%arg10 : memref<!tpu.dma_semaphore, #tpu.memory_space<semaphore_mem>>)
    %dma_wait3A_51 = arith.constant 0 : i32
    %dma_wait3A_52 = arith.constant 0 : i32
    %dma_wait3A_53 = tpu.memref_slice %arg2[%dma_wait3A_51, %dma_wait3A_52] : memref<4096x256xf32, #tpu.memory_space<hbm>> -> memref<4096x256xf32, #tpu.memory_space<hbm>>
    tpu.wait_indirect_dma semaphore(%arg10 : memref<!tpu.dma_semaphore, #tpu.memory_space<semaphore_mem>>) src(%dma_wait3A_53 : memref<4096x256xf32, #tpu.memory_space<hbm>>) dst(%arg8 : memref<128x256xf32, #tpu.memory_space<vmem>>)
    %add3A_54 = arith.constant 128 : i32
    %add3A_55 = arith.addi %mul3A_32, %add3A_54 : i32
    %dma_start3A_56 = tpu.memref_slice %arg4[%add3A_55, %mul3A_37] : memref<8192x1024xf32, #tpu.memory_space<hbm>> -> memref<128x256xf32, #tpu.memory_space<hbm>>
    %dma_start3A_57 = tpu.memref_slice %arg4[%add3A_55, %mul3A_37] : memref<8192x1024xf32, #tpu.memory_space<hbm>> -> memref<128x256xf32, #tpu.memory_space<hbm>>
    tpu.enqueue_dma source(%arg8 : memref<128x256xf32, #tpu.memory_space<vmem>>) target(%dma_start3A_57 : memref<128x256xf32, #tpu.memory_space<hbm>>) target_semaphore(%arg12 : memref<!tpu.dma_semaphore, #tpu.memory_space<semaphore_mem>>)
    %add3A_58 = arith.constant 256 : i32
    %add3A_59 = arith.addi %add3A_35, %add3A_58 : i32
    "tpu.region"() ({
      %run_scoped3A = tpu.sem_alloc : memref<!tpu.dma_semaphore, #tpu.memory_space<semaphore_mem>>
      %dma_start3A_146 = tpu.memref_slice %arg3[%add3A_59] : memref<32768xi32, #tpu.memory_space<hbm>> -> memref<128xi32, #tpu.memory_space<hbm>>
      %dma_start3A_147 = tpu.memref_slice %arg3[%add3A_59] : memref<32768xi32, #tpu.memory_space<hbm>> -> memref<128xi32, #tpu.memory_space<hbm>>
      tpu.enqueue_dma source(%dma_start3A_147 : memref<128xi32, #tpu.memory_space<hbm>>) target(%arg5 : memref<128xi32, #tpu.memory_space<vmem>>) target_semaphore(%run_scoped3A : memref<!tpu.dma_semaphore, #tpu.memory_space<semaphore_mem>>)
      %dma_wait3A_148 = tpu.memref_slice %arg3[%add3A_59] : memref<32768xi32, #tpu.memory_space<hbm>> -> memref<128xi32, #tpu.memory_space<hbm>>
      %dma_wait3A_149 = tpu.memref_slice %arg3[%add3A_59] : memref<32768xi32, #tpu.memory_space<hbm>> -> memref<128xi32, #tpu.memory_space<hbm>>
      tpu.wait_dma2 semaphore(%run_scoped3A : memref<!tpu.dma_semaphore, #tpu.memory_space<semaphore_mem>>) src(%dma_wait3A_149 : memref<128xi32, #tpu.memory_space<hbm>>) dst(%arg5 : memref<128xi32, #tpu.memory_space<vmem>>)
      tpu.yield
    }) : () -> ()
    %dma_wait3A_60 = tpu.memref_slice %arg4[%add3A_43, %mul3A_37] : memref<8192x1024xf32, #tpu.memory_space<hbm>> -> memref<128x256xf32, #tpu.memory_space<hbm>>
    %dma_wait3A_61 = tpu.memref_slice %arg4[%add3A_43, %mul3A_37] : memref<8192x1024xf32, #tpu.memory_space<hbm>> -> memref<128x256xf32, #tpu.memory_space<hbm>>
    tpu.wait_dma2 semaphore(%arg11 : memref<!tpu.dma_semaphore, #tpu.memory_space<semaphore_mem>>) src(%arg7 : memref<128x256xf32, #tpu.memory_space<vmem>>) dst(%dma_wait3A_61 : memref<128x256xf32, #tpu.memory_space<hbm>>)
    %dma_start3A_62 = arith.constant 0 : i32
    %dma_start3A_63 = arith.constant 0 : i32
    %dma_start3A_64 = tpu.memref_slice %arg2[%dma_start3A_62, %dma_start3A_63] : memref<4096x256xf32, #tpu.memory_space<hbm>> -> memref<4096x256xf32, #tpu.memory_space<hbm>>
    tpu.enqueue_indirect_dma source(%dma_start3A_64 : memref<4096x256xf32, #tpu.memory_space<hbm>>) target(%arg7 : memref<128x256xf32, #tpu.memory_space<vmem>>) offsets(%arg5 : memref<128xi32, #tpu.memory_space<vmem>>) semaphore(%arg9 : memref<!tpu.dma_semaphore, #tpu.memory_space<semaphore_mem>>)
    %dma_wait3A_65 = arith.constant 0 : i32
    %dma_wait3A_66 = arith.constant 0 : i32
    %dma_wait3A_67 = tpu.memref_slice %arg2[%dma_wait3A_65, %dma_wait3A_66] : memref<4096x256xf32, #tpu.memory_space<hbm>> -> memref<4096x256xf32, #tpu.memory_space<hbm>>
    tpu.wait_indirect_dma semaphore(%arg9 : memref<!tpu.dma_semaphore, #tpu.memory_space<semaphore_mem>>) src(%dma_wait3A_67 : memref<4096x256xf32, #tpu.memory_space<hbm>>) dst(%arg7 : memref<128x256xf32, #tpu.memory_space<vmem>>)
    %add3A_68 = arith.constant 256 : i32
    %add3A_69 = arith.addi %mul3A_32, %add3A_68 : i32
    %dma_start3A_70 = tpu.memref_slice %arg4[%add3A_69, %mul3A_37] : memref<8192x1024xf32, #tpu.memory_space<hbm>> -> memref<128x256xf32, #tpu.memory_space<hbm>>
    %dma_start3A_71 = tpu.memref_slice %arg4[%add3A_69, %mul3A_37] : memref<8192x1024xf32, #tpu.memory_space<hbm>> -> memref<128x256xf32, #tpu.memory_space<hbm>>
    tpu.enqueue_dma source(%arg7 : memref<128x256xf32, #tpu.memory_space<vmem>>) target(%dma_start3A_71 : memref<128x256xf32, #tpu.memory_space<hbm>>) target_semaphore(%arg11 : memref<!tpu.dma_semaphore, #tpu.memory_space<semaphore_mem>>)
    %add3A_72 = arith.constant 384 : i32
    %add3A_73 = arith.addi %add3A_35, %add3A_72 : i32
    "tpu.region"() ({
      %run_scoped3A = tpu.sem_alloc : memref<!tpu.dma_semaphore, #tpu.memory_space<semaphore_mem>>
      %dma_start3A_146 = tpu.memref_slice %arg3[%add3A_73] : memref<32768xi32, #tpu.memory_space<hbm>> -> memref<128xi32, #tpu.memory_space<hbm>>
      %dma_start3A_147 = tpu.memref_slice %arg3[%add3A_73] : memref<32768xi32, #tpu.memory_space<hbm>> -> memref<128xi32, #tpu.memory_space<hbm>>
      tpu.enqueue_dma source(%dma_start3A_147 : memref<128xi32, #tpu.memory_space<hbm>>) target(%arg6 : memref<128xi32, #tpu.memory_space<vmem>>) target_semaphore(%run_scoped3A : memref<!tpu.dma_semaphore, #tpu.memory_space<semaphore_mem>>)
      %dma_wait3A_148 = tpu.memref_slice %arg3[%add3A_73] : memref<32768xi32, #tpu.memory_space<hbm>> -> memref<128xi32, #tpu.memory_space<hbm>>
      %dma_wait3A_149 = tpu.memref_slice %arg3[%add3A_73] : memref<32768xi32, #tpu.memory_space<hbm>> -> memref<128xi32, #tpu.memory_space<hbm>>
      tpu.wait_dma2 semaphore(%run_scoped3A : memref<!tpu.dma_semaphore, #tpu.memory_space<semaphore_mem>>) src(%dma_wait3A_149 : memref<128xi32, #tpu.memory_space<hbm>>) dst(%arg6 : memref<128xi32, #tpu.memory_space<vmem>>)
      tpu.yield
    }) : () -> ()
    %dma_wait3A_74 = tpu.memref_slice %arg4[%add3A_55, %mul3A_37] : memref<8192x1024xf32, #tpu.memory_space<hbm>> -> memref<128x256xf32, #tpu.memory_space<hbm>>
    %dma_wait3A_75 = tpu.memref_slice %arg4[%add3A_55, %mul3A_37] : memref<8192x1024xf32, #tpu.memory_space<hbm>> -> memref<128x256xf32, #tpu.memory_space<hbm>>
    tpu.wait_dma2 semaphore(%arg12 : memref<!tpu.dma_semaphore, #tpu.memory_space<semaphore_mem>>) src(%arg8 : memref<128x256xf32, #tpu.memory_space<vmem>>) dst(%dma_wait3A_75 : memref<128x256xf32, #tpu.memory_space<hbm>>)
    %dma_start3A_76 = arith.constant 0 : i32
    %dma_start3A_77 = arith.constant 0 : i32
    %dma_start3A_78 = tpu.memref_slice %arg2[%dma_start3A_76, %dma_start3A_77] : memref<4096x256xf32, #tpu.memory_space<hbm>> -> memref<4096x256xf32, #tpu.memory_space<hbm>>
    tpu.enqueue_indirect_dma source(%dma_start3A_78 : memref<4096x256xf32, #tpu.memory_space<hbm>>) target(%arg8 : memref<128x256xf32, #tpu.memory_space<vmem>>) offsets(%arg6 : memref<128xi32, #tpu.memory_space<vmem>>) semaphore(%arg10 : memref<!tpu.dma_semaphore, #tpu.memory_space<semaphore_mem>>)
    %dma_wait3A_79 = arith.constant 0 : i32
    %dma_wait3A_80 = arith.constant 0 : i32
    %dma_wait3A_81 = tpu.memref_slice %arg2[%dma_wait3A_79, %dma_wait3A_80] : memref<4096x256xf32, #tpu.memory_space<hbm>> -> memref<4096x256xf32, #tpu.memory_space<hbm>>
    tpu.wait_indirect_dma semaphore(%arg10 : memref<!tpu.dma_semaphore, #tpu.memory_space<semaphore_mem>>) src(%dma_wait3A_81 : memref<4096x256xf32, #tpu.memory_space<hbm>>) dst(%arg8 : memref<128x256xf32, #tpu.memory_space<vmem>>)
    %add3A_82 = arith.constant 384 : i32
    %add3A_83 = arith.addi %mul3A_32, %add3A_82 : i32
    %dma_start3A_84 = tpu.memref_slice %arg4[%add3A_83, %mul3A_37] : memref<8192x1024xf32, #tpu.memory_space<hbm>> -> memref<128x256xf32, #tpu.memory_space<hbm>>
    %dma_start3A_85 = tpu.memref_slice %arg4[%add3A_83, %mul3A_37] : memref<8192x1024xf32, #tpu.memory_space<hbm>> -> memref<128x256xf32, #tpu.memory_space<hbm>>
    tpu.enqueue_dma source(%arg8 : memref<128x256xf32, #tpu.memory_space<vmem>>) target(%dma_start3A_85 : memref<128x256xf32, #tpu.memory_space<hbm>>) target_semaphore(%arg12 : memref<!tpu.dma_semaphore, #tpu.memory_space<semaphore_mem>>)
    %add3A_86 = arith.constant 512 : i32
    %add3A_87 = arith.addi %add3A_35, %add3A_86 : i32
    "tpu.region"() ({
      %run_scoped3A = tpu.sem_alloc : memref<!tpu.dma_semaphore, #tpu.memory_space<semaphore_mem>>
      %dma_start3A_146 = tpu.memref_slice %arg3[%add3A_87] : memref<32768xi32, #tpu.memory_space<hbm>> -> memref<128xi32, #tpu.memory_space<hbm>>
      %dma_start3A_147 = tpu.memref_slice %arg3[%add3A_87] : memref<32768xi32, #tpu.memory_space<hbm>> -> memref<128xi32, #tpu.memory_space<hbm>>
      tpu.enqueue_dma source(%dma_start3A_147 : memref<128xi32, #tpu.memory_space<hbm>>) target(%arg5 : memref<128xi32, #tpu.memory_space<vmem>>) target_semaphore(%run_scoped3A : memref<!tpu.dma_semaphore, #tpu.memory_space<semaphore_mem>>)
      %dma_wait3A_148 = tpu.memref_slice %arg3[%add3A_87] : memref<32768xi32, #tpu.memory_space<hbm>> -> memref<128xi32, #tpu.memory_space<hbm>>
      %dma_wait3A_149 = tpu.memref_slice %arg3[%add3A_87] : memref<32768xi32, #tpu.memory_space<hbm>> -> memref<128xi32, #tpu.memory_space<hbm>>
      tpu.wait_dma2 semaphore(%run_scoped3A : memref<!tpu.dma_semaphore, #tpu.memory_space<semaphore_mem>>) src(%dma_wait3A_149 : memref<128xi32, #tpu.memory_space<hbm>>) dst(%arg5 : memref<128xi32, #tpu.memory_space<vmem>>)
      tpu.yield
    }) : () -> ()
    %dma_wait3A_88 = tpu.memref_slice %arg4[%add3A_69, %mul3A_37] : memref<8192x1024xf32, #tpu.memory_space<hbm>> -> memref<128x256xf32, #tpu.memory_space<hbm>>
    %dma_wait3A_89 = tpu.memref_slice %arg4[%add3A_69, %mul3A_37] : memref<8192x1024xf32, #tpu.memory_space<hbm>> -> memref<128x256xf32, #tpu.memory_space<hbm>>
    tpu.wait_dma2 semaphore(%arg11 : memref<!tpu.dma_semaphore, #tpu.memory_space<semaphore_mem>>) src(%arg7 : memref<128x256xf32, #tpu.memory_space<vmem>>) dst(%dma_wait3A_89 : memref<128x256xf32, #tpu.memory_space<hbm>>)
    %dma_start3A_90 = arith.constant 0 : i32
    %dma_start3A_91 = arith.constant 0 : i32
    %dma_start3A_92 = tpu.memref_slice %arg2[%dma_start3A_90, %dma_start3A_91] : memref<4096x256xf32, #tpu.memory_space<hbm>> -> memref<4096x256xf32, #tpu.memory_space<hbm>>
    tpu.enqueue_indirect_dma source(%dma_start3A_92 : memref<4096x256xf32, #tpu.memory_space<hbm>>) target(%arg7 : memref<128x256xf32, #tpu.memory_space<vmem>>) offsets(%arg5 : memref<128xi32, #tpu.memory_space<vmem>>) semaphore(%arg9 : memref<!tpu.dma_semaphore, #tpu.memory_space<semaphore_mem>>)
    %dma_wait3A_93 = arith.constant 0 : i32
    %dma_wait3A_94 = arith.constant 0 : i32
    %dma_wait3A_95 = tpu.memref_slice %arg2[%dma_wait3A_93, %dma_wait3A_94] : memref<4096x256xf32, #tpu.memory_space<hbm>> -> memref<4096x256xf32, #tpu.memory_space<hbm>>
    tpu.wait_indirect_dma semaphore(%arg9 : memref<!tpu.dma_semaphore, #tpu.memory_space<semaphore_mem>>) src(%dma_wait3A_95 : memref<4096x256xf32, #tpu.memory_space<hbm>>) dst(%arg7 : memref<128x256xf32, #tpu.memory_space<vmem>>)
    %add3A_96 = arith.constant 512 : i32
    %add3A_97 = arith.addi %mul3A_32, %add3A_96 : i32
    %dma_start3A_98 = tpu.memref_slice %arg4[%add3A_97, %mul3A_37] : memref<8192x1024xf32, #tpu.memory_space<hbm>> -> memref<128x256xf32, #tpu.memory_space<hbm>>
    %dma_start3A_99 = tpu.memref_slice %arg4[%add3A_97, %mul3A_37] : memref<8192x1024xf32, #tpu.memory_space<hbm>> -> memref<128x256xf32, #tpu.memory_space<hbm>>
    tpu.enqueue_dma source(%arg7 : memref<128x256xf32, #tpu.memory_space<vmem>>) target(%dma_start3A_99 : memref<128x256xf32, #tpu.memory_space<hbm>>) target_semaphore(%arg11 : memref<!tpu.dma_semaphore, #tpu.memory_space<semaphore_mem>>)
    %add3A_100 = arith.constant 640 : i32
    %add3A_101 = arith.addi %add3A_35, %add3A_100 : i32
    "tpu.region"() ({
      %run_scoped3A = tpu.sem_alloc : memref<!tpu.dma_semaphore, #tpu.memory_space<semaphore_mem>>
      %dma_start3A_146 = tpu.memref_slice %arg3[%add3A_101] : memref<32768xi32, #tpu.memory_space<hbm>> -> memref<128xi32, #tpu.memory_space<hbm>>
      %dma_start3A_147 = tpu.memref_slice %arg3[%add3A_101] : memref<32768xi32, #tpu.memory_space<hbm>> -> memref<128xi32, #tpu.memory_space<hbm>>
      tpu.enqueue_dma source(%dma_start3A_147 : memref<128xi32, #tpu.memory_space<hbm>>) target(%arg6 : memref<128xi32, #tpu.memory_space<vmem>>) target_semaphore(%run_scoped3A : memref<!tpu.dma_semaphore, #tpu.memory_space<semaphore_mem>>)
      %dma_wait3A_148 = tpu.memref_slice %arg3[%add3A_101] : memref<32768xi32, #tpu.memory_space<hbm>> -> memref<128xi32, #tpu.memory_space<hbm>>
      %dma_wait3A_149 = tpu.memref_slice %arg3[%add3A_101] : memref<32768xi32, #tpu.memory_space<hbm>> -> memref<128xi32, #tpu.memory_space<hbm>>
      tpu.wait_dma2 semaphore(%run_scoped3A : memref<!tpu.dma_semaphore, #tpu.memory_space<semaphore_mem>>) src(%dma_wait3A_149 : memref<128xi32, #tpu.memory_space<hbm>>) dst(%arg6 : memref<128xi32, #tpu.memory_space<vmem>>)
      tpu.yield
    }) : () -> ()
    %dma_wait3A_102 = tpu.memref_slice %arg4[%add3A_83, %mul3A_37] : memref<8192x1024xf32, #tpu.memory_space<hbm>> -> memref<128x256xf32, #tpu.memory_space<hbm>>
    %dma_wait3A_103 = tpu.memref_slice %arg4[%add3A_83, %mul3A_37] : memref<8192x1024xf32, #tpu.memory_space<hbm>> -> memref<128x256xf32, #tpu.memory_space<hbm>>
    tpu.wait_dma2 semaphore(%arg12 : memref<!tpu.dma_semaphore, #tpu.memory_space<semaphore_mem>>) src(%arg8 : memref<128x256xf32, #tpu.memory_space<vmem>>) dst(%dma_wait3A_103 : memref<128x256xf32, #tpu.memory_space<hbm>>)
    %dma_start3A_104 = arith.constant 0 : i32
    %dma_start3A_105 = arith.constant 0 : i32
    %dma_start3A_106 = tpu.memref_slice %arg2[%dma_start3A_104, %dma_start3A_105] : memref<4096x256xf32, #tpu.memory_space<hbm>> -> memref<4096x256xf32, #tpu.memory_space<hbm>>
    tpu.enqueue_indirect_dma source(%dma_start3A_106 : memref<4096x256xf32, #tpu.memory_space<hbm>>) target(%arg8 : memref<128x256xf32, #tpu.memory_space<vmem>>) offsets(%arg6 : memref<128xi32, #tpu.memory_space<vmem>>) semaphore(%arg10 : memref<!tpu.dma_semaphore, #tpu.memory_space<semaphore_mem>>)
    %dma_wait3A_107 = arith.constant 0 : i32
    %dma_wait3A_108 = arith.constant 0 : i32
    %dma_wait3A_109 = tpu.memref_slice %arg2[%dma_wait3A_107, %dma_wait3A_108] : memref<4096x256xf32, #tpu.memory_space<hbm>> -> memref<4096x256xf32, #tpu.memory_space<hbm>>
    tpu.wait_indirect_dma semaphore(%arg10 : memref<!tpu.dma_semaphore, #tpu.memory_space<semaphore_mem>>) src(%dma_wait3A_109 : memref<4096x256xf32, #tpu.memory_space<hbm>>) dst(%arg8 : memref<128x256xf32, #tpu.memory_space<vmem>>)
    %add3A_110 = arith.constant 640 : i32
    %add3A_111 = arith.addi %mul3A_32, %add3A_110 : i32
    %dma_start3A_112 = tpu.memref_slice %arg4[%add3A_111, %mul3A_37] : memref<8192x1024xf32, #tpu.memory_space<hbm>> -> memref<128x256xf32, #tpu.memory_space<hbm>>
    %dma_start3A_113 = tpu.memref_slice %arg4[%add3A_111, %mul3A_37] : memref<8192x1024xf32, #tpu.memory_space<hbm>> -> memref<128x256xf32, #tpu.memory_space<hbm>>
    tpu.enqueue_dma source(%arg8 : memref<128x256xf32, #tpu.memory_space<vmem>>) target(%dma_start3A_113 : memref<128x256xf32, #tpu.memory_space<hbm>>) target_semaphore(%arg12 : memref<!tpu.dma_semaphore, #tpu.memory_space<semaphore_mem>>)
    %add3A_114 = arith.constant 768 : i32
    %add3A_115 = arith.addi %add3A_35, %add3A_114 : i32
    "tpu.region"() ({
      %run_scoped3A = tpu.sem_alloc : memref<!tpu.dma_semaphore, #tpu.memory_space<semaphore_mem>>
      %dma_start3A_146 = tpu.memref_slice %arg3[%add3A_115] : memref<32768xi32, #tpu.memory_space<hbm>> -> memref<128xi32, #tpu.memory_space<hbm>>
      %dma_start3A_147 = tpu.memref_slice %arg3[%add3A_115] : memref<32768xi32, #tpu.memory_space<hbm>> -> memref<128xi32, #tpu.memory_space<hbm>>
      tpu.enqueue_dma source(%dma_start3A_147 : memref<128xi32, #tpu.memory_space<hbm>>) target(%arg5 : memref<128xi32, #tpu.memory_space<vmem>>) target_semaphore(%run_scoped3A : memref<!tpu.dma_semaphore, #tpu.memory_space<semaphore_mem>>)
      %dma_wait3A_148 = tpu.memref_slice %arg3[%add3A_115] : memref<32768xi32, #tpu.memory_space<hbm>> -> memref<128xi32, #tpu.memory_space<hbm>>
      %dma_wait3A_149 = tpu.memref_slice %arg3[%add3A_115] : memref<32768xi32, #tpu.memory_space<hbm>> -> memref<128xi32, #tpu.memory_space<hbm>>
      tpu.wait_dma2 semaphore(%run_scoped3A : memref<!tpu.dma_semaphore, #tpu.memory_space<semaphore_mem>>) src(%dma_wait3A_149 : memref<128xi32, #tpu.memory_space<hbm>>) dst(%arg5 : memref<128xi32, #tpu.memory_space<vmem>>)
      tpu.yield
    }) : () -> ()
    %dma_wait3A_116 = tpu.memref_slice %arg4[%add3A_97, %mul3A_37] : memref<8192x1024xf32, #tpu.memory_space<hbm>> -> memref<128x256xf32, #tpu.memory_space<hbm>>
    %dma_wait3A_117 = tpu.memref_slice %arg4[%add3A_97, %mul3A_37] : memref<8192x1024xf32, #tpu.memory_space<hbm>> -> memref<128x256xf32, #tpu.memory_space<hbm>>
    tpu.wait_dma2 semaphore(%arg11 : memref<!tpu.dma_semaphore, #tpu.memory_space<semaphore_mem>>) src(%arg7 : memref<128x256xf32, #tpu.memory_space<vmem>>) dst(%dma_wait3A_117 : memref<128x256xf32, #tpu.memory_space<hbm>>)
    %dma_start3A_118 = arith.constant 0 : i32
    %dma_start3A_119 = arith.constant 0 : i32
    %dma_start3A_120 = tpu.memref_slice %arg2[%dma_start3A_118, %dma_start3A_119] : memref<4096x256xf32, #tpu.memory_space<hbm>> -> memref<4096x256xf32, #tpu.memory_space<hbm>>
    tpu.enqueue_indirect_dma source(%dma_start3A_120 : memref<4096x256xf32, #tpu.memory_space<hbm>>) target(%arg7 : memref<128x256xf32, #tpu.memory_space<vmem>>) offsets(%arg5 : memref<128xi32, #tpu.memory_space<vmem>>) semaphore(%arg9 : memref<!tpu.dma_semaphore, #tpu.memory_space<semaphore_mem>>)
    %dma_wait3A_121 = arith.constant 0 : i32
    %dma_wait3A_122 = arith.constant 0 : i32
    %dma_wait3A_123 = tpu.memref_slice %arg2[%dma_wait3A_121, %dma_wait3A_122] : memref<4096x256xf32, #tpu.memory_space<hbm>> -> memref<4096x256xf32, #tpu.memory_space<hbm>>
    tpu.wait_indirect_dma semaphore(%arg9 : memref<!tpu.dma_semaphore, #tpu.memory_space<semaphore_mem>>) src(%dma_wait3A_123 : memref<4096x256xf32, #tpu.memory_space<hbm>>) dst(%arg7 : memref<128x256xf32, #tpu.memory_space<vmem>>)
    %add3A_124 = arith.constant 768 : i32
    %add3A_125 = arith.addi %mul3A_32, %add3A_124 : i32
    %dma_start3A_126 = tpu.memref_slice %arg4[%add3A_125, %mul3A_37] : memref<8192x1024xf32, #tpu.memory_space<hbm>> -> memref<128x256xf32, #tpu.memory_space<hbm>>
    %dma_start3A_127 = tpu.memref_slice %arg4[%add3A_125, %mul3A_37] : memref<8192x1024xf32, #tpu.memory_space<hbm>> -> memref<128x256xf32, #tpu.memory_space<hbm>>
    tpu.enqueue_dma source(%arg7 : memref<128x256xf32, #tpu.memory_space<vmem>>) target(%dma_start3A_127 : memref<128x256xf32, #tpu.memory_space<hbm>>) target_semaphore(%arg11 : memref<!tpu.dma_semaphore, #tpu.memory_space<semaphore_mem>>)
    %add3A_128 = arith.constant 896 : i32
    %add3A_129 = arith.addi %add3A_35, %add3A_128 : i32
    "tpu.region"() ({
      %run_scoped3A = tpu.sem_alloc : memref<!tpu.dma_semaphore, #tpu.memory_space<semaphore_mem>>
      %dma_start3A_146 = tpu.memref_slice %arg3[%add3A_129] : memref<32768xi32, #tpu.memory_space<hbm>> -> memref<128xi32, #tpu.memory_space<hbm>>
      %dma_start3A_147 = tpu.memref_slice %arg3[%add3A_129] : memref<32768xi32, #tpu.memory_space<hbm>> -> memref<128xi32, #tpu.memory_space<hbm>>
      tpu.enqueue_dma source(%dma_start3A_147 : memref<128xi32, #tpu.memory_space<hbm>>) target(%arg6 : memref<128xi32, #tpu.memory_space<vmem>>) target_semaphore(%run_scoped3A : memref<!tpu.dma_semaphore, #tpu.memory_space<semaphore_mem>>)
      %dma_wait3A_148 = tpu.memref_slice %arg3[%add3A_129] : memref<32768xi32, #tpu.memory_space<hbm>> -> memref<128xi32, #tpu.memory_space<hbm>>
      %dma_wait3A_149 = tpu.memref_slice %arg3[%add3A_129] : memref<32768xi32, #tpu.memory_space<hbm>> -> memref<128xi32, #tpu.memory_space<hbm>>
      tpu.wait_dma2 semaphore(%run_scoped3A : memref<!tpu.dma_semaphore, #tpu.memory_space<semaphore_mem>>) src(%dma_wait3A_149 : memref<128xi32, #tpu.memory_space<hbm>>) dst(%arg6 : memref<128xi32, #tpu.memory_space<vmem>>)
      tpu.yield
    }) : () -> ()
    %dma_wait3A_130 = tpu.memref_slice %arg4[%add3A_111, %mul3A_37] : memref<8192x1024xf32, #tpu.memory_space<hbm>> -> memref<128x256xf32, #tpu.memory_space<hbm>>
    %dma_wait3A_131 = tpu.memref_slice %arg4[%add3A_111, %mul3A_37] : memref<8192x1024xf32, #tpu.memory_space<hbm>> -> memref<128x256xf32, #tpu.memory_space<hbm>>
    tpu.wait_dma2 semaphore(%arg12 : memref<!tpu.dma_semaphore, #tpu.memory_space<semaphore_mem>>) src(%arg8 : memref<128x256xf32, #tpu.memory_space<vmem>>) dst(%dma_wait3A_131 : memref<128x256xf32, #tpu.memory_space<hbm>>)
    %dma_start3A_132 = arith.constant 0 : i32
    %dma_start3A_133 = arith.constant 0 : i32
    %dma_start3A_134 = tpu.memref_slice %arg2[%dma_start3A_132, %dma_start3A_133] : memref<4096x256xf32, #tpu.memory_space<hbm>> -> memref<4096x256xf32, #tpu.memory_space<hbm>>
    tpu.enqueue_indirect_dma source(%dma_start3A_134 : memref<4096x256xf32, #tpu.memory_space<hbm>>) target(%arg8 : memref<128x256xf32, #tpu.memory_space<vmem>>) offsets(%arg6 : memref<128xi32, #tpu.memory_space<vmem>>) semaphore(%arg10 : memref<!tpu.dma_semaphore, #tpu.memory_space<semaphore_mem>>)
    %dma_wait3A_135 = arith.constant 0 : i32
    %dma_wait3A_136 = arith.constant 0 : i32
    %dma_wait3A_137 = tpu.memref_slice %arg2[%dma_wait3A_135, %dma_wait3A_136] : memref<4096x256xf32, #tpu.memory_space<hbm>> -> memref<4096x256xf32, #tpu.memory_space<hbm>>
    tpu.wait_indirect_dma semaphore(%arg10 : memref<!tpu.dma_semaphore, #tpu.memory_space<semaphore_mem>>) src(%dma_wait3A_137 : memref<4096x256xf32, #tpu.memory_space<hbm>>) dst(%arg8 : memref<128x256xf32, #tpu.memory_space<vmem>>)
    %add3A_138 = arith.constant 896 : i32
    %add3A_139 = arith.addi %mul3A_32, %add3A_138 : i32
    %dma_start3A_140 = tpu.memref_slice %arg4[%add3A_139, %mul3A_37] : memref<8192x1024xf32, #tpu.memory_space<hbm>> -> memref<128x256xf32, #tpu.memory_space<hbm>>
    %dma_start3A_141 = tpu.memref_slice %arg4[%add3A_139, %mul3A_37] : memref<8192x1024xf32, #tpu.memory_space<hbm>> -> memref<128x256xf32, #tpu.memory_space<hbm>>
    tpu.enqueue_dma source(%arg8 : memref<128x256xf32, #tpu.memory_space<vmem>>) target(%dma_start3A_141 : memref<128x256xf32, #tpu.memory_space<hbm>>) target_semaphore(%arg12 : memref<!tpu.dma_semaphore, #tpu.memory_space<semaphore_mem>>)
    %dma_wait3A_142 = tpu.memref_slice %arg4[%add3A_125, %mul3A_37] : memref<8192x1024xf32, #tpu.memory_space<hbm>> -> memref<128x256xf32, #tpu.memory_space<hbm>>
    %dma_wait3A_143 = tpu.memref_slice %arg4[%add3A_125, %mul3A_37] : memref<8192x1024xf32, #tpu.memory_space<hbm>> -> memref<128x256xf32, #tpu.memory_space<hbm>>
    tpu.wait_dma2 semaphore(%arg11 : memref<!tpu.dma_semaphore, #tpu.memory_space<semaphore_mem>>) src(%arg7 : memref<128x256xf32, #tpu.memory_space<vmem>>) dst(%dma_wait3A_143 : memref<128x256xf32, #tpu.memory_space<hbm>>)
    %dma_wait3A_144 = tpu.memref_slice %arg4[%add3A_139, %mul3A_37] : memref<8192x1024xf32, #tpu.memory_space<hbm>> -> memref<128x256xf32, #tpu.memory_space<hbm>>
    %dma_wait3A_145 = tpu.memref_slice %arg4[%add3A_139, %mul3A_37] : memref<8192x1024xf32, #tpu.memory_space<hbm>> -> memref<128x256xf32, #tpu.memory_space<hbm>>
    tpu.wait_dma2 semaphore(%arg12 : memref<!tpu.dma_semaphore, #tpu.memory_space<semaphore_mem>>) src(%arg8 : memref<128x256xf32, #tpu.memory_space<vmem>>) dst(%dma_wait3A_145 : memref<128x256xf32, #tpu.memory_space<hbm>>)
    return
  }
}

module attributes {stable_mosaic.version = 14 : i64} {
  func.func @_tc_body(%arg0: i32, %arg1: memref<2048x1024xf32, #tpu.memory_space<vmem>>, %arg2: memref<4x1024x256xf32, #tpu.memory_space<vmem>>, %arg3: memref<2048x4xi32, #tpu.memory_space<vmem>>, %arg4: memref<2048x4xi32, #tpu.memory_space<vmem>>, %arg5: memref<8x128xf32, #tpu.memory_space<vmem>>, %arg6: memref<4096x256xf32, #tpu.memory_space<vmem>>, %arg7: memref<4x1024xf32, #tpu.memory_space<vmem>>) attributes {dimension_semantics = [#tpu.dimension_semantics<arbitrary>], iteration_bounds = array<i64: 4>, scalar_prefetch = 0 : i64, scratch_operands = 1 : i64, tpu.core_type = #tpu.core_type<tc>, window_params = [{transform_indices = @transform_0, window_bounds = array<i64: 2048, 1024>}, {pipeline_mode = #tpu.pipeline_mode<synchronous>, transform_indices = @transform_1, window_bounds = array<i64: 4, 1024, 256>}, {transform_indices = @transform_2, window_bounds = array<i64: 2048, 4>}, {transform_indices = @transform_3, window_bounds = array<i64: 2048, 4>}, {pipeline_mode = #tpu.pipeline_mode<synchronous>, transform_indices = @transform_4, window_bounds = array<i64: 8, 128>}, {pipeline_mode = #tpu.pipeline_mode<synchronous>, transform_indices = @transform_5, window_bounds = array<i64: 4096, 256>}]} {
    %eq3A = arith.constant 0 : i32
    %eq3A_0 = arith.cmpi eq, %arg0, %eq3A : i32
    %convert_element_type3A = arith.extui %eq3A_0 : i1 to i32
    %cond3A = arith.constant 0 : i32
    %cond3A_1 = arith.cmpi ne, %convert_element_type3A, %cond3A : i32
    scf.if %cond3A_1 {
      %broadcast_in_dim3A_206 = arith.constant 0.000000e+00 : f32
      %broadcast_in_dim3A_207 = vector.broadcast %broadcast_in_dim3A_206 : f32 to vector<8x128xf32>
      %swap3A_208 = arith.constant 0 : index
      %swap3A_209 = arith.constant 0 : index
      %swap3A_210 = vector.load %arg5[%swap3A_208, %swap3A_209] : memref<8x128xf32, #tpu.memory_space<vmem>>, vector<8x128xf32>
      tpu.vector_store %arg5[%swap3A_208, %swap3A_209], %broadcast_in_dim3A_207 {strides = array<i32>} : memref<8x128xf32, #tpu.memory_space<vmem>>, vector<8x128xf32>,
      %get3A_211 = arith.constant 0 : index
      %get3A_212 = arith.constant 0 : index
      %get3A_213 = arith.constant 0 : index
      %get3A_214 = vector.load %arg2[%get3A_211, %get3A_212, %get3A_213] : memref<4x1024x256xf32, #tpu.memory_space<vmem>>, vector<1x1024x256xf32>
      %get3A_215 = vector.shape_cast %get3A_214 : vector<1x1024x256xf32> to vector<1024x256xf32>
      %mul3A_216 = arith.mulf %get3A_215, %get3A_215 : vector<1024x256xf32>
      %reduce_sum3A_217 = arith.constant dense<0.000000e+00> : vector<1024xf32>
      %reduce_sum3A_218 = vector.multi_reduction <add>, %mul3A_216, %reduce_sum3A_217 [1] : vector<1024x256xf32> to vector<1024xf32>
      %broadcast_in_dim3A_219 = vector.shape_cast %reduce_sum3A_218 : vector<1024xf32> to vector<1x1024xf32>
      %swap3A_220 = arith.constant 0 : index
      %swap3A_221 = arith.constant 0 : index
      %swap3A_222 = vector.load %arg7[%swap3A_220, %swap3A_221] : memref<4x1024xf32, #tpu.memory_space<vmem>>, vector<1x1024xf32>
      tpu.vector_store %arg7[%swap3A_220, %swap3A_221], %broadcast_in_dim3A_219 {strides = array<i32>} : memref<4x1024xf32, #tpu.memory_space<vmem>>, vector<1x1024xf32>,
      %swap3A_223 = arith.constant 0 : index
      %swap3A_224 = arith.constant 0 : index
      %swap3A_225 = vector.load %arg6[%swap3A_223, %swap3A_224] : memref<4096x256xf32, #tpu.memory_space<vmem>>, vector<1024x256xf32>
      tpu.vector_store %arg6[%swap3A_223, %swap3A_224], %get3A_215 {strides = array<i32>} : memref<4096x256xf32, #tpu.memory_space<vmem>>, vector<1024x256xf32>,
      %get3A_226 = arith.constant 1 : index
      %get3A_227 = arith.constant 0 : index
      %get3A_228 = arith.constant 0 : index
      %get3A_229 = vector.load %arg2[%get3A_226, %get3A_227, %get3A_228] : memref<4x1024x256xf32, #tpu.memory_space<vmem>>, vector<1x1024x256xf32>
      %get3A_230 = vector.shape_cast %get3A_229 : vector<1x1024x256xf32> to vector<1024x256xf32>
      %mul3A_231 = arith.mulf %get3A_230, %get3A_230 : vector<1024x256xf32>
      %reduce_sum3A_232 = arith.constant dense<0.000000e+00> : vector<1024xf32>
      %reduce_sum3A_233 = vector.multi_reduction <add>, %mul3A_231, %reduce_sum3A_232 [1] : vector<1024x256xf32> to vector<1024xf32>
      %broadcast_in_dim3A_234 = vector.shape_cast %reduce_sum3A_233 : vector<1024xf32> to vector<1x1024xf32>
      %swap3A_235 = arith.constant 1 : index
      %swap3A_236 = arith.constant 0 : index
      %swap3A_237 = vector.load %arg7[%swap3A_235, %swap3A_236] : memref<4x1024xf32, #tpu.memory_space<vmem>>, vector<1x1024xf32>
      tpu.vector_store %arg7[%swap3A_235, %swap3A_236], %broadcast_in_dim3A_234 {strides = array<i32>} : memref<4x1024xf32, #tpu.memory_space<vmem>>, vector<1x1024xf32>,
      %swap3A_238 = arith.constant 1024 : index
      %swap3A_239 = arith.constant 0 : index
      %swap3A_240 = vector.load %arg6[%swap3A_238, %swap3A_239] : memref<4096x256xf32, #tpu.memory_space<vmem>>, vector<1024x256xf32>
      tpu.vector_store %arg6[%swap3A_238, %swap3A_239], %get3A_230 {strides = array<i32>} : memref<4096x256xf32, #tpu.memory_space<vmem>>, vector<1024x256xf32>,
      %get3A_241 = arith.constant 2 : index
      %get3A_242 = arith.constant 0 : index
      %get3A_243 = arith.constant 0 : index
      %get3A_244 = vector.load %arg2[%get3A_241, %get3A_242, %get3A_243] : memref<4x1024x256xf32, #tpu.memory_space<vmem>>, vector<1x1024x256xf32>
      %get3A_245 = vector.shape_cast %get3A_244 : vector<1x1024x256xf32> to vector<1024x256xf32>
      %mul3A_246 = arith.mulf %get3A_245, %get3A_245 : vector<1024x256xf32>
      %reduce_sum3A_247 = arith.constant dense<0.000000e+00> : vector<1024xf32>
      %reduce_sum3A_248 = vector.multi_reduction <add>, %mul3A_246, %reduce_sum3A_247 [1] : vector<1024x256xf32> to vector<1024xf32>
      %broadcast_in_dim3A_249 = vector.shape_cast %reduce_sum3A_248 : vector<1024xf32> to vector<1x1024xf32>
      %swap3A_250 = arith.constant 2 : index
      %swap3A_251 = arith.constant 0 : index
      %swap3A_252 = vector.load %arg7[%swap3A_250, %swap3A_251] : memref<4x1024xf32, #tpu.memory_space<vmem>>, vector<1x1024xf32>
      tpu.vector_store %arg7[%swap3A_250, %swap3A_251], %broadcast_in_dim3A_249 {strides = array<i32>} : memref<4x1024xf32, #tpu.memory_space<vmem>>, vector<1x1024xf32>,
      %swap3A_253 = arith.constant 2048 : index
      %swap3A_254 = arith.constant 0 : index
      %swap3A_255 = vector.load %arg6[%swap3A_253, %swap3A_254] : memref<4096x256xf32, #tpu.memory_space<vmem>>, vector<1024x256xf32>
      tpu.vector_store %arg6[%swap3A_253, %swap3A_254], %get3A_245 {strides = array<i32>} : memref<4096x256xf32, #tpu.memory_space<vmem>>, vector<1024x256xf32>,
      %get3A_256 = arith.constant 3 : index
      %get3A_257 = arith.constant 0 : index
      %get3A_258 = arith.constant 0 : index
      %get3A_259 = vector.load %arg2[%get3A_256, %get3A_257, %get3A_258] : memref<4x1024x256xf32, #tpu.memory_space<vmem>>, vector<1x1024x256xf32>
      %get3A_260 = vector.shape_cast %get3A_259 : vector<1x1024x256xf32> to vector<1024x256xf32>
      %mul3A_261 = arith.mulf %get3A_260, %get3A_260 : vector<1024x256xf32>
      %reduce_sum3A_262 = arith.constant dense<0.000000e+00> : vector<1024xf32>
      %reduce_sum3A_263 = vector.multi_reduction <add>, %mul3A_261, %reduce_sum3A_262 [1] : vector<1024x256xf32> to vector<1024xf32>
      %broadcast_in_dim3A_264 = vector.shape_cast %reduce_sum3A_263 : vector<1024xf32> to vector<1x1024xf32>
      %swap3A_265 = arith.constant 3 : index
      %swap3A_266 = arith.constant 0 : index
      %swap3A_267 = vector.load %arg7[%swap3A_265, %swap3A_266] : memref<4x1024xf32, #tpu.memory_space<vmem>>, vector<1x1024xf32>
      tpu.vector_store %arg7[%swap3A_265, %swap3A_266], %broadcast_in_dim3A_264 {strides = array<i32>} : memref<4x1024xf32, #tpu.memory_space<vmem>>, vector<1x1024xf32>,
      %swap3A_268 = arith.constant 3072 : index
      %swap3A_269 = arith.constant 0 : index
      %swap3A_270 = vector.load %arg6[%swap3A_268, %swap3A_269] : memref<4096x256xf32, #tpu.memory_space<vmem>>, vector<1024x256xf32>
      tpu.vector_store %arg6[%swap3A_268, %swap3A_269], %get3A_260 {strides = array<i32>} : memref<4096x256xf32, #tpu.memory_space<vmem>>, vector<1024x256xf32>,
    } else {
    }
    %get3A = arith.constant 0 : index
    %get3A_2 = arith.constant 0 : index
    %get3A_3 = vector.load %arg1[%get3A, %get3A_2] : memref<2048x1024xf32, #tpu.memory_space<vmem>>, vector<2048x256xf32>
    %get3A_4 = arith.constant 0 : index
    %get3A_5 = arith.constant 0 : index
    %get3A_6 = arith.constant 0 : index
    %get3A_7 = vector.load %arg2[%get3A_4, %get3A_5, %get3A_6] : memref<4x1024x256xf32, #tpu.memory_space<vmem>>, vector<1x1024x256xf32>
    %get3A_8 = vector.shape_cast %get3A_7 : vector<1x1024x256xf32> to vector<1024x256xf32>
    %mul3A = arith.constant -2.000000e+00 : f32
    %mul3A_9 = vector.broadcast %mul3A : f32 to vector<2048x256xf32>
    %mul3A_10 = arith.mulf %get3A_3, %mul3A_9 : vector<2048x256xf32>
    %dot_general3A = arith.constant dense<0.000000e+00> : vector<2048x1024xf32>
    %dot_general3A_11 = tpu.matmul %mul3A_10, %get3A_8, %dot_general3A {dimension_numbers = #tpu.dot_dimension_numbers<[1], [1], [0], [0], [0, 0, 1, 0], [], []>, transpose_lhs_hint = false} : vector<2048x256xf32>, vector<1024x256xf32>, vector<2048x1024xf32> -> vector<2048x1024xf32>
    %mul3A_12 = arith.mulf %get3A_3, %get3A_3 : vector<2048x256xf32>
    %reduce_sum3A = arith.constant dense<0.000000e+00> : vector<2048xf32>
    %reduce_sum3A_13 = vector.multi_reduction <add>, %mul3A_12, %reduce_sum3A [1] : vector<2048x256xf32> to vector<2048xf32>
    %broadcast_in_dim3A = vector.shape_cast %reduce_sum3A_13 : vector<2048xf32> to vector<2048x1xf32>
    %get3A_14 = arith.constant 0 : index
    %get3A_15 = arith.constant 0 : index
    %get3A_16 = vector.load %arg7[%get3A_14, %get3A_15] : memref<4x1024xf32, #tpu.memory_space<vmem>>, vector<1x1024xf32>
    %add3A = vector.broadcast %broadcast_in_dim3A : vector<2048x1xf32> to vector<2048x1024xf32>
    %add3A_17 = vector.broadcast %get3A_16 : vector<1x1024xf32> to vector<2048x1024xf32>
    %add3A_18 = arith.addf %add3A, %add3A_17 : vector<2048x1024xf32>
    %add3A_19 = arith.addf %add3A_18, %dot_general3A_11 : vector<2048x1024xf32>
    %reduce_min3A = arith.constant dense<0x7F800000> : vector<2048xf32>
    %reduce_min3A_20 = vector.multi_reduction <minimumf>, %add3A_19, %reduce_min3A [1] : vector<2048x1024xf32> to vector<2048xf32>
    %broadcast_in_dim3A_21 = vector.shape_cast %reduce_min3A_20 : vector<2048xf32> to vector<2048x1xf32>
    %iota3A = tpu.iota {dimensions = array<i32: 1>} : vector<2048x1024xi32>
    %eq3A_22 = vector.broadcast %broadcast_in_dim3A_21 : vector<2048x1xf32> to vector<2048x1024xf32>
    %eq3A_23 = arith.cmpf oeq, %add3A_19, %eq3A_22 : vector<2048x1024xf32>
    %jit3A = arith.constant 1024 : i32
    %broadcast_in_dim3A_24 = vector.broadcast %jit3A : i32 to vector<2048x1024xi32>
    %select_n3A = arith.select %eq3A_23, %iota3A, %broadcast_in_dim3A_24 : vector<2048x1024xi1>, vector<2048x1024xi32>
    %reduce_min3A_25 = arith.constant dense<2147483647> : vector<2048xi32>
    %reduce_min3A_26 = vector.multi_reduction <minsi>, %select_n3A, %reduce_min3A_25 [1] : vector<2048x1024xi32> to vector<2048xi32>
    %broadcast_in_dim3A_27 = vector.shape_cast %reduce_min3A_26 : vector<2048xi32> to vector<2048x1xi32>
    %swap3A = arith.constant 0 : index
    %swap3A_28 = arith.constant 0 : index
    %swap3A_29 = vector.load %arg3[%swap3A, %swap3A_28] : memref<2048x4xi32, #tpu.memory_space<vmem>>, vector<2048x1xi32>
    tpu.vector_store %arg3[%swap3A, %swap3A_28], %broadcast_in_dim3A_27 {strides = array<i32>} : memref<2048x4xi32, #tpu.memory_space<vmem>>, vector<2048x1xi32>,
    %add3A_30 = arith.constant 0 : i32
    %add3A_31 = vector.broadcast %add3A_30 : i32 to vector<2048x1xi32>
    %add3A_32 = arith.addi %broadcast_in_dim3A_27, %add3A_31 : vector<2048x1xi32>
    %swap3A_33 = arith.constant 0 : index
    %swap3A_34 = arith.constant 0 : index
    %swap3A_35 = vector.load %arg4[%swap3A_33, %swap3A_34] : memref<2048x4xi32, #tpu.memory_space<vmem>>, vector<2048x1xi32>
    tpu.vector_store %arg4[%swap3A_33, %swap3A_34], %add3A_32 {strides = array<i32>} : memref<2048x4xi32, #tpu.memory_space<vmem>>, vector<2048x1xi32>,
    %reduce_sum3A_36 = vector.shape_cast %broadcast_in_dim3A_21 : vector<2048x1xf32> to vector<1x2048x1xf32>
    %reduce_sum3A_37 = arith.constant dense<0.000000e+00> : vector<1xf32>
    %reduce_sum3A_38 = vector.multi_reduction <add>, %reduce_sum3A_36, %reduce_sum3A_37 [1, 2] : vector<1x2048x1xf32> to vector<1xf32>
    %reduce_sum3A_39 = vector.shape_cast %reduce_sum3A_38 : vector<1xf32> to vector<1x1x1xf32>
    %reduce_sum3A_40 = vector.extract %reduce_sum3A_39[0, 0, 0] : f32 from vector<1x1x1xf32>
    %add3A_41 = arith.constant 0.000000e+00 : f32
    %add3A_42 = arith.addf %add3A_41, %reduce_sum3A_40 : f32
    %get3A_43 = arith.constant 0 : index
    %get3A_44 = arith.constant 256 : index
    %get3A_45 = vector.load %arg1[%get3A_43, %get3A_44] : memref<2048x1024xf32, #tpu.memory_space<vmem>>, vector<2048x256xf32>
    %get3A_46 = arith.constant 1 : index
    %get3A_47 = arith.constant 0 : index
    %get3A_48 = arith.constant 0 : index
    %get3A_49 = vector.load %arg2[%get3A_46, %get3A_47, %get3A_48] : memref<4x1024x256xf32, #tpu.memory_space<vmem>>, vector<1x1024x256xf32>
    %get3A_50 = vector.shape_cast %get3A_49 : vector<1x1024x256xf32> to vector<1024x256xf32>
    %mul3A_51 = arith.constant -2.000000e+00 : f32
    %mul3A_52 = vector.broadcast %mul3A_51 : f32 to vector<2048x256xf32>
    %mul3A_53 = arith.mulf %get3A_45, %mul3A_52 : vector<2048x256xf32>
    %dot_general3A_54 = arith.constant dense<0.000000e+00> : vector<2048x1024xf32>
    %dot_general3A_55 = tpu.matmul %mul3A_53, %get3A_50, %dot_general3A_54 {dimension_numbers = #tpu.dot_dimension_numbers<[1], [1], [0], [0], [0, 0, 1, 0], [], []>, transpose_lhs_hint = false} : vector<2048x256xf32>, vector<1024x256xf32>, vector<2048x1024xf32> -> vector<2048x1024xf32>
    %mul3A_56 = arith.mulf %get3A_45, %get3A_45 : vector<2048x256xf32>
    %reduce_sum3A_57 = arith.constant dense<0.000000e+00> : vector<2048xf32>
    %reduce_sum3A_58 = vector.multi_reduction <add>, %mul3A_56, %reduce_sum3A_57 [1] : vector<2048x256xf32> to vector<2048xf32>
    %broadcast_in_dim3A_59 = vector.shape_cast %reduce_sum3A_58 : vector<2048xf32> to vector<2048x1xf32>
    %get3A_60 = arith.constant 1 : index
    %get3A_61 = arith.constant 0 : index
    %get3A_62 = vector.load %arg7[%get3A_60, %get3A_61] : memref<4x1024xf32, #tpu.memory_space<vmem>>, vector<1x1024xf32>
    %add3A_63 = vector.broadcast %broadcast_in_dim3A_59 : vector<2048x1xf32> to vector<2048x1024xf32>
    %add3A_64 = vector.broadcast %get3A_62 : vector<1x1024xf32> to vector<2048x1024xf32>
    %add3A_65 = arith.addf %add3A_63, %add3A_64 : vector<2048x1024xf32>
    %add3A_66 = arith.addf %add3A_65, %dot_general3A_55 : vector<2048x1024xf32>
    %reduce_min3A_67 = arith.constant dense<0x7F800000> : vector<2048xf32>
    %reduce_min3A_68 = vector.multi_reduction <minimumf>, %add3A_66, %reduce_min3A_67 [1] : vector<2048x1024xf32> to vector<2048xf32>
    %broadcast_in_dim3A_69 = vector.shape_cast %reduce_min3A_68 : vector<2048xf32> to vector<2048x1xf32>
    %iota3A_70 = tpu.iota {dimensions = array<i32: 1>} : vector<2048x1024xi32>
    %eq3A_71 = vector.broadcast %broadcast_in_dim3A_69 : vector<2048x1xf32> to vector<2048x1024xf32>
    %eq3A_72 = arith.cmpf oeq, %add3A_66, %eq3A_71 : vector<2048x1024xf32>
    %jit3A_73 = arith.constant 1024 : i32
    %broadcast_in_dim3A_74 = vector.broadcast %jit3A_73 : i32 to vector<2048x1024xi32>
    %select_n3A_75 = arith.select %eq3A_72, %iota3A_70, %broadcast_in_dim3A_74 : vector<2048x1024xi1>, vector<2048x1024xi32>
    %reduce_min3A_76 = arith.constant dense<2147483647> : vector<2048xi32>
    %reduce_min3A_77 = vector.multi_reduction <minsi>, %select_n3A_75, %reduce_min3A_76 [1] : vector<2048x1024xi32> to vector<2048xi32>
    %broadcast_in_dim3A_78 = vector.shape_cast %reduce_min3A_77 : vector<2048xi32> to vector<2048x1xi32>
    %swap3A_79 = arith.constant 0 : index
    %swap3A_80 = arith.constant 1 : index
    %swap3A_81 = vector.load %arg3[%swap3A_79, %swap3A_80] : memref<2048x4xi32, #tpu.memory_space<vmem>>, vector<2048x1xi32>
    tpu.vector_store %arg3[%swap3A_79, %swap3A_80], %broadcast_in_dim3A_78 {strides = array<i32>} : memref<2048x4xi32, #tpu.memory_space<vmem>>, vector<2048x1xi32>,
    %add3A_82 = arith.constant 1024 : i32
    %add3A_83 = vector.broadcast %add3A_82 : i32 to vector<2048x1xi32>
    %add3A_84 = arith.addi %broadcast_in_dim3A_78, %add3A_83 : vector<2048x1xi32>
    %swap3A_85 = arith.constant 0 : index
    %swap3A_86 = arith.constant 1 : index
    %swap3A_87 = vector.load %arg4[%swap3A_85, %swap3A_86] : memref<2048x4xi32, #tpu.memory_space<vmem>>, vector<2048x1xi32>
    tpu.vector_store %arg4[%swap3A_85, %swap3A_86], %add3A_84 {strides = array<i32>} : memref<2048x4xi32, #tpu.memory_space<vmem>>, vector<2048x1xi32>,
    %reduce_sum3A_88 = vector.shape_cast %broadcast_in_dim3A_69 : vector<2048x1xf32> to vector<1x2048x1xf32>
    %reduce_sum3A_89 = arith.constant dense<0.000000e+00> : vector<1xf32>
    %reduce_sum3A_90 = vector.multi_reduction <add>, %reduce_sum3A_88, %reduce_sum3A_89 [1, 2] : vector<1x2048x1xf32> to vector<1xf32>
    %reduce_sum3A_91 = vector.shape_cast %reduce_sum3A_90 : vector<1xf32> to vector<1x1x1xf32>
    %reduce_sum3A_92 = vector.extract %reduce_sum3A_91[0, 0, 0] : f32 from vector<1x1x1xf32>
    %add3A_93 = arith.addf %add3A_42, %reduce_sum3A_92 : f32
    %get3A_94 = arith.constant 0 : index
    %get3A_95 = arith.constant 512 : index
    %get3A_96 = vector.load %arg1[%get3A_94, %get3A_95] : memref<2048x1024xf32, #tpu.memory_space<vmem>>, vector<2048x256xf32>
    %get3A_97 = arith.constant 2 : index
    %get3A_98 = arith.constant 0 : index
    %get3A_99 = arith.constant 0 : index
    %get3A_100 = vector.load %arg2[%get3A_97, %get3A_98, %get3A_99] : memref<4x1024x256xf32, #tpu.memory_space<vmem>>, vector<1x1024x256xf32>
    %get3A_101 = vector.shape_cast %get3A_100 : vector<1x1024x256xf32> to vector<1024x256xf32>
    %mul3A_102 = arith.constant -2.000000e+00 : f32
    %mul3A_103 = vector.broadcast %mul3A_102 : f32 to vector<2048x256xf32>
    %mul3A_104 = arith.mulf %get3A_96, %mul3A_103 : vector<2048x256xf32>
    %dot_general3A_105 = arith.constant dense<0.000000e+00> : vector<2048x1024xf32>
    %dot_general3A_106 = tpu.matmul %mul3A_104, %get3A_101, %dot_general3A_105 {dimension_numbers = #tpu.dot_dimension_numbers<[1], [1], [0], [0], [0, 0, 1, 0], [], []>, transpose_lhs_hint = false} : vector<2048x256xf32>, vector<1024x256xf32>, vector<2048x1024xf32> -> vector<2048x1024xf32>
    %mul3A_107 = arith.mulf %get3A_96, %get3A_96 : vector<2048x256xf32>
    %reduce_sum3A_108 = arith.constant dense<0.000000e+00> : vector<2048xf32>
    %reduce_sum3A_109 = vector.multi_reduction <add>, %mul3A_107, %reduce_sum3A_108 [1] : vector<2048x256xf32> to vector<2048xf32>
    %broadcast_in_dim3A_110 = vector.shape_cast %reduce_sum3A_109 : vector<2048xf32> to vector<2048x1xf32>
    %get3A_111 = arith.constant 2 : index
    %get3A_112 = arith.constant 0 : index
    %get3A_113 = vector.load %arg7[%get3A_111, %get3A_112] : memref<4x1024xf32, #tpu.memory_space<vmem>>, vector<1x1024xf32>
    %add3A_114 = vector.broadcast %broadcast_in_dim3A_110 : vector<2048x1xf32> to vector<2048x1024xf32>
    %add3A_115 = vector.broadcast %get3A_113 : vector<1x1024xf32> to vector<2048x1024xf32>
    %add3A_116 = arith.addf %add3A_114, %add3A_115 : vector<2048x1024xf32>
    %add3A_117 = arith.addf %add3A_116, %dot_general3A_106 : vector<2048x1024xf32>
    %reduce_min3A_118 = arith.constant dense<0x7F800000> : vector<2048xf32>
    %reduce_min3A_119 = vector.multi_reduction <minimumf>, %add3A_117, %reduce_min3A_118 [1] : vector<2048x1024xf32> to vector<2048xf32>
    %broadcast_in_dim3A_120 = vector.shape_cast %reduce_min3A_119 : vector<2048xf32> to vector<2048x1xf32>
    %iota3A_121 = tpu.iota {dimensions = array<i32: 1>} : vector<2048x1024xi32>
    %eq3A_122 = vector.broadcast %broadcast_in_dim3A_120 : vector<2048x1xf32> to vector<2048x1024xf32>
    %eq3A_123 = arith.cmpf oeq, %add3A_117, %eq3A_122 : vector<2048x1024xf32>
    %jit3A_124 = arith.constant 1024 : i32
    %broadcast_in_dim3A_125 = vector.broadcast %jit3A_124 : i32 to vector<2048x1024xi32>
    %select_n3A_126 = arith.select %eq3A_123, %iota3A_121, %broadcast_in_dim3A_125 : vector<2048x1024xi1>, vector<2048x1024xi32>
    %reduce_min3A_127 = arith.constant dense<2147483647> : vector<2048xi32>
    %reduce_min3A_128 = vector.multi_reduction <minsi>, %select_n3A_126, %reduce_min3A_127 [1] : vector<2048x1024xi32> to vector<2048xi32>
    %broadcast_in_dim3A_129 = vector.shape_cast %reduce_min3A_128 : vector<2048xi32> to vector<2048x1xi32>
    %swap3A_130 = arith.constant 0 : index
    %swap3A_131 = arith.constant 2 : index
    %swap3A_132 = vector.load %arg3[%swap3A_130, %swap3A_131] : memref<2048x4xi32, #tpu.memory_space<vmem>>, vector<2048x1xi32>
    tpu.vector_store %arg3[%swap3A_130, %swap3A_131], %broadcast_in_dim3A_129 {strides = array<i32>} : memref<2048x4xi32, #tpu.memory_space<vmem>>, vector<2048x1xi32>,
    %add3A_133 = arith.constant 2048 : i32
    %add3A_134 = vector.broadcast %add3A_133 : i32 to vector<2048x1xi32>
    %add3A_135 = arith.addi %broadcast_in_dim3A_129, %add3A_134 : vector<2048x1xi32>
    %swap3A_136 = arith.constant 0 : index
    %swap3A_137 = arith.constant 2 : index
    %swap3A_138 = vector.load %arg4[%swap3A_136, %swap3A_137] : memref<2048x4xi32, #tpu.memory_space<vmem>>, vector<2048x1xi32>
    tpu.vector_store %arg4[%swap3A_136, %swap3A_137], %add3A_135 {strides = array<i32>} : memref<2048x4xi32, #tpu.memory_space<vmem>>, vector<2048x1xi32>,
    %reduce_sum3A_139 = vector.shape_cast %broadcast_in_dim3A_120 : vector<2048x1xf32> to vector<1x2048x1xf32>
    %reduce_sum3A_140 = arith.constant dense<0.000000e+00> : vector<1xf32>
    %reduce_sum3A_141 = vector.multi_reduction <add>, %reduce_sum3A_139, %reduce_sum3A_140 [1, 2] : vector<1x2048x1xf32> to vector<1xf32>
    %reduce_sum3A_142 = vector.shape_cast %reduce_sum3A_141 : vector<1xf32> to vector<1x1x1xf32>
    %reduce_sum3A_143 = vector.extract %reduce_sum3A_142[0, 0, 0] : f32 from vector<1x1x1xf32>
    %add3A_144 = arith.addf %add3A_93, %reduce_sum3A_143 : f32
    %get3A_145 = arith.constant 0 : index
    %get3A_146 = arith.constant 768 : index
    %get3A_147 = vector.load %arg1[%get3A_145, %get3A_146] : memref<2048x1024xf32, #tpu.memory_space<vmem>>, vector<2048x256xf32>
    %get3A_148 = arith.constant 3 : index
    %get3A_149 = arith.constant 0 : index
    %get3A_150 = arith.constant 0 : index
    %get3A_151 = vector.load %arg2[%get3A_148, %get3A_149, %get3A_150] : memref<4x1024x256xf32, #tpu.memory_space<vmem>>, vector<1x1024x256xf32>
    %get3A_152 = vector.shape_cast %get3A_151 : vector<1x1024x256xf32> to vector<1024x256xf32>
    %mul3A_153 = arith.constant -2.000000e+00 : f32
    %mul3A_154 = vector.broadcast %mul3A_153 : f32 to vector<2048x256xf32>
    %mul3A_155 = arith.mulf %get3A_147, %mul3A_154 : vector<2048x256xf32>
    %dot_general3A_156 = arith.constant dense<0.000000e+00> : vector<2048x1024xf32>
    %dot_general3A_157 = tpu.matmul %mul3A_155, %get3A_152, %dot_general3A_156 {dimension_numbers = #tpu.dot_dimension_numbers<[1], [1], [0], [0], [0, 0, 1, 0], [], []>, transpose_lhs_hint = false} : vector<2048x256xf32>, vector<1024x256xf32>, vector<2048x1024xf32> -> vector<2048x1024xf32>
    %mul3A_158 = arith.mulf %get3A_147, %get3A_147 : vector<2048x256xf32>
    %reduce_sum3A_159 = arith.constant dense<0.000000e+00> : vector<2048xf32>
    %reduce_sum3A_160 = vector.multi_reduction <add>, %mul3A_158, %reduce_sum3A_159 [1] : vector<2048x256xf32> to vector<2048xf32>
    %broadcast_in_dim3A_161 = vector.shape_cast %reduce_sum3A_160 : vector<2048xf32> to vector<2048x1xf32>
    %get3A_162 = arith.constant 3 : index
    %get3A_163 = arith.constant 0 : index
    %get3A_164 = vector.load %arg7[%get3A_162, %get3A_163] : memref<4x1024xf32, #tpu.memory_space<vmem>>, vector<1x1024xf32>
    %add3A_165 = vector.broadcast %broadcast_in_dim3A_161 : vector<2048x1xf32> to vector<2048x1024xf32>
    %add3A_166 = vector.broadcast %get3A_164 : vector<1x1024xf32> to vector<2048x1024xf32>
    %add3A_167 = arith.addf %add3A_165, %add3A_166 : vector<2048x1024xf32>
    %add3A_168 = arith.addf %add3A_167, %dot_general3A_157 : vector<2048x1024xf32>
    %reduce_min3A_169 = arith.constant dense<0x7F800000> : vector<2048xf32>
    %reduce_min3A_170 = vector.multi_reduction <minimumf>, %add3A_168, %reduce_min3A_169 [1] : vector<2048x1024xf32> to vector<2048xf32>
    %broadcast_in_dim3A_171 = vector.shape_cast %reduce_min3A_170 : vector<2048xf32> to vector<2048x1xf32>
    %iota3A_172 = tpu.iota {dimensions = array<i32: 1>} : vector<2048x1024xi32>
    %eq3A_173 = vector.broadcast %broadcast_in_dim3A_171 : vector<2048x1xf32> to vector<2048x1024xf32>
    %eq3A_174 = arith.cmpf oeq, %add3A_168, %eq3A_173 : vector<2048x1024xf32>
    %jit3A_175 = arith.constant 1024 : i32
    %broadcast_in_dim3A_176 = vector.broadcast %jit3A_175 : i32 to vector<2048x1024xi32>
    %select_n3A_177 = arith.select %eq3A_174, %iota3A_172, %broadcast_in_dim3A_176 : vector<2048x1024xi1>, vector<2048x1024xi32>
    %reduce_min3A_178 = arith.constant dense<2147483647> : vector<2048xi32>
    %reduce_min3A_179 = vector.multi_reduction <minsi>, %select_n3A_177, %reduce_min3A_178 [1] : vector<2048x1024xi32> to vector<2048xi32>
    %broadcast_in_dim3A_180 = vector.shape_cast %reduce_min3A_179 : vector<2048xi32> to vector<2048x1xi32>
    %swap3A_181 = arith.constant 0 : index
    %swap3A_182 = arith.constant 3 : index
    %swap3A_183 = vector.load %arg3[%swap3A_181, %swap3A_182] : memref<2048x4xi32, #tpu.memory_space<vmem>>, vector<2048x1xi32>
    tpu.vector_store %arg3[%swap3A_181, %swap3A_182], %broadcast_in_dim3A_180 {strides = array<i32>} : memref<2048x4xi32, #tpu.memory_space<vmem>>, vector<2048x1xi32>,
    %add3A_184 = arith.constant 3072 : i32
    %add3A_185 = vector.broadcast %add3A_184 : i32 to vector<2048x1xi32>
    %add3A_186 = arith.addi %broadcast_in_dim3A_180, %add3A_185 : vector<2048x1xi32>
    %swap3A_187 = arith.constant 0 : index
    %swap3A_188 = arith.constant 3 : index
    %swap3A_189 = vector.load %arg4[%swap3A_187, %swap3A_188] : memref<2048x4xi32, #tpu.memory_space<vmem>>, vector<2048x1xi32>
    tpu.vector_store %arg4[%swap3A_187, %swap3A_188], %add3A_186 {strides = array<i32>} : memref<2048x4xi32, #tpu.memory_space<vmem>>, vector<2048x1xi32>,
    %reduce_sum3A_190 = vector.shape_cast %broadcast_in_dim3A_171 : vector<2048x1xf32> to vector<1x2048x1xf32>
    %reduce_sum3A_191 = arith.constant dense<0.000000e+00> : vector<1xf32>
    %reduce_sum3A_192 = vector.multi_reduction <add>, %reduce_sum3A_190, %reduce_sum3A_191 [1, 2] : vector<1x2048x1xf32> to vector<1xf32>
    %reduce_sum3A_193 = vector.shape_cast %reduce_sum3A_192 : vector<1xf32> to vector<1x1x1xf32>
    %reduce_sum3A_194 = vector.extract %reduce_sum3A_193[0, 0, 0] : f32 from vector<1x1x1xf32>
    %add3A_195 = arith.addf %add3A_144, %reduce_sum3A_194 : f32
    %get3A_196 = arith.constant 0 : index
    %get3A_197 = arith.constant 0 : index
    %get3A_198 = vector.load %arg5[%get3A_196, %get3A_197] : memref<8x128xf32, #tpu.memory_space<vmem>>, vector<8x128xf32>
    %mul3A_199 = arith.constant 9.765625E-4 : f32
    %mul3A_200 = arith.mulf %add3A_195, %mul3A_199 : f32
    %broadcast_in_dim3A_201 = vector.broadcast %mul3A_200 : f32 to vector<8x128xf32>
    %add3A_202 = arith.addf %get3A_198, %broadcast_in_dim3A_201 : vector<8x128xf32>
    %swap3A_203 = arith.constant 0 : index
    %swap3A_204 = arith.constant 0 : index
    %swap3A_205 = vector.load %arg5[%swap3A_203, %swap3A_204] : memref<8x128xf32, #tpu.memory_space<vmem>>, vector<8x128xf32>
    tpu.vector_store %arg5[%swap3A_203, %swap3A_204], %add3A_202 {strides = array<i32>} : memref<8x128xf32, #tpu.memory_space<vmem>>, vector<8x128xf32>,
    return
  }
  func.func @transform_0(%arg0: i32) -> (i32, i32) {
    %c0_i32 = arith.constant 0 : i32
    %c0_i32_0 = arith.constant 0 : i32
    return %arg0, %c0_i32 : i32, i32
  }
  func.func @transform_1(%arg0: i32) -> (i32, i32, i32) {
    %c0_i32 = arith.constant 0 : i32
    %c0_i32_0 = arith.constant 0 : i32
    %c0_i32_1 = arith.constant 0 : i32
    %c0_i32_2 = arith.constant 0 : i32
    return %c0_i32, %c0_i32_0, %c0_i32_1 : i32, i32, i32
  }
  func.func @transform_2(%arg0: i32) -> (i32, i32) {
    %c0_i32 = arith.constant 0 : i32
    %c0_i32_0 = arith.constant 0 : i32
    return %arg0, %c0_i32 : i32, i32
  }
  func.func @transform_3(%arg0: i32) -> (i32, i32) {
    %c0_i32 = arith.constant 0 : i32
    %c0_i32_0 = arith.constant 0 : i32
    return %arg0, %c0_i32 : i32, i32
  }
  func.func @transform_4(%arg0: i32) -> (i32, i32) {
    %c0_i32 = arith.constant 0 : i32
    %c0_i32_0 = arith.constant 0 : i32
    %c0_i32_1 = arith.constant 0 : i32
    return %c0_i32, %c0_i32_0 : i32, i32
  }
  func.func @transform_5(%arg0: i32) -> (i32, i32) {
    %c0_i32 = arith.constant 0 : i32
    %c0_i32_0 = arith.constant 0 : i32
    %c0_i32_1 = arith.constant 0 : i32
    return %c0_i32, %c0_i32_0 : i32, i32
  }
}

</mosaic_0001>

<sc_bundles>
// kernel: kernel.4.cloned.1.call-start
scs
__scs_entry_jumppad:
0x0: {  	(pc) =	sbr.rel $0x88, $3  }
0x1: {  	(tag) =	ssettag $0x0;
	lr =	simm.s32 $0x1  }
0x2: {  	[smem:$0x3F9F] =	sst lr;
	_ =	strace $0xD0000000  }
0x3: {  	_ = 	snop  }
0x4: {  	_ = 	snop  }
0x5: {  	_ = 	snop  }
0x6: {  	_ = 	snop  }
0x7: {  	_ = 	snop  }
__scs_overlays_trampoline_lowered:
0x8: {  	[smem:$0x3FAE] =	sst s0  }
0x9: {  	[smem:$0x3FAF] =	sst s1  }
0xa: {  	[smem:$0x3FB0] =	sst s2  }
0xb: {  	[smem:$0x3FB1] =	sst s3  }
0xc: {  	[smem:$0x3FB2] =	sst s4  }
0xd: {  	[smem:$0x3FB3] =	sst s5  }
0xe: {  	[smem:$0x3FB4] =	sst s6  }
0xf: {  	[smem:$0x3FB5] =	sst s7  }
0x10: {  	[smem:$0x3FB6] =	sst s8  }
0x11: {  	[smem:$0x3FB7] =	sst s9;
	s0 =	simm.s32 @!p0 $0x0  }
0x12: {  	s1 =	sld [smem:$0x3F9D];
	s0 =	simm.s32 @p0 $0x1  }
0x13: {  	[smem:$0x3FB8] =	sst s0;
	s0 =	simm.s32 @!p1 $0x0  }
0x14: {  	s2 =	sld [smem:$0x3F9C];
	s0 =	simm.s32 @p1 $0x1  }
0x15: {  	[smem:$0x3FB9] =	sst s0;
	s0 =	simm.s32 @!p2 $0x0  }
0x16: {  	s3 =	sld [smem:$0x3FDB];
	s0 =	simm.s32 @p2 $0x1  }
0x17: {  	s4 =	simm.s32 $0x1BF5;
	[smem:$0x3FBB] =	sst s0  }
0x18: {  	s0 =	sld [smem:$0x3F9E];
	_ =	swait.ge [sflag:s4], $0x0  }
0x19: {  	s7 =	sld [smem:$0x3F9F]  }
0x1a: {  	s8 =	sadd.s32 $0xFFFFE003, lr  }
0x1b: {  	s9 =	sadd.s32 $0xFFFFFEF7, lr;
	s5 =	simm.s32 $0xFFFFFFFF;
	p2 =	slt.u32 s8, $0xFFFFF086  }
0x1c: {  	p1 =	slt.u32 s9, $0xF7A;
	s5 =	simm.s32 @!p2 $0x0  }
0x1d: {  	s5 =	simm.s32 @p1 $0x1;
	p0 =	seq.s32 s7, s2  }
0x1e: {  	s7 =	smul.u32 @!p0 $0xF7A, s2;
	p2 =	seq.s32 @!p0 s5, $0x0  }
0x1f: {  	s9 =	smul.u32 $0xF7A, s1;
	s8 =	simm.s32 @!p0 $0x1BF5;
	p2 =	por !p2, p0  }
0x20: {  	[sflag:s8] =	ssyncset.s32 @!p0 $0xFFFFF086;
	s6 =	sadd.s32 @!p0 s3, s7;
	s7 =	simm.s32 @!p0 $0x108  }
0x21: {  	s3 =	sadd.s32 s3, s9;
	s6 =	sadd.s32 @!p0 $0x88, s6;
	s7 =	simm.s32 @p2 $0x1082  }
0x22: {  	[simem:s7], [sflag:s8] =	dma.local @!p0 [hbm:s6], $0xF7A  }
0x23: {  	s9 =	sor.u32 $0xD0000000, s2;
	s6 =	simm.s32 $0x108;
	_ =	swait.ge @!p0 [sflag:s8], $0x0  }
0x24: {  	s3 =	sadd.s32 $0x88, s3;
	s6 =	simm.s32 @!p1 $0x1082;
	[sflag:s4] =	ssyncset.s32 $0xFFFFF086  }
0x25: {  	[simem:s6], [sflag:s4] =	dma.local [hbm:s3], $0xF7A  }
0x26: {  	[smem:$0x3F9F] =	sst s1;
	(tag) =	ssettag s2;
	_ =	strace s9  }
0x27: {  	s1 =	sld [smem:$0x3FAF]  }
0x28: {  	s2 =	sld [smem:$0x3FB0]  }
0x29: {  	s4 =	sld [smem:$0x3FB2]  }
0x2a: {  	p0 =	seq.s32 s5, $0x0;
	s5 =	sld [smem:$0x3FB3]  }
0x2b: {  	s6 =	sld [smem:$0x3FB4]  }
0x2c: {  	s7 =	sld [smem:$0x3FB5]  }
0x2d: {  	s3 =	simm.s32 $0x108;
	s8 =	sld [smem:$0x3FB6]  }
0x2e: {  	s3 =	simm.s32 @!p0 $0x1082;
	s9 =	sld [smem:$0x3FB7]  }
0x2f: {  	lr =	sadd.s32 s0, s3;
	s0 =	sld [smem:$0x3FAE]  }
0x30: {  	s3 =	sld [smem:$0x3FB1]  }
0x31: {  	[smem:$0x3FBA] =	sst s10  }
0x32: {  	s10 =	sld [smem:$0x3FB8];
	_ =	sdelay $0x3  }
0x33: {  	p0 =	seq.s32 s10, $0x1;
	s10 =	sld [smem:$0x3FBA];
	_ =	sdelay $0x3  }
0x34: {  	[smem:$0x3FBA] =	sst s10  }
0x35: {  	s10 =	sld [smem:$0x3FB9];
	_ =	sdelay $0x3  }
0x36: {  	p1 =	seq.s32 s10, $0x1;
	s10 =	sld [smem:$0x3FBA];
	_ =	sdelay $0x3  }
0x37: {  	[smem:$0x3FBA] =	sst s10  }
0x38: {  	s10 =	sld [smem:$0x3FBB]  }
0x39: {  	_ = 	snop;
	(pc) =	sbr.ind lr, $3  }
0x3a: {  	_ = 	snop  }
0x3b: {  	_ = 	snop  }
0x3c: {  	p2 =	seq.s32 s10, $0x1;
	s10 =	sld [smem:$0x3FBA]  }
0x3d: {  	_ =	shalt  }
0x3e: {  	_ =	shalt  }
0x3f: {  	_ =	shalt  }
0x40: {  	_ =	shalt  }
0x41: {  	_ =	shalt  }
0x42: {  	_ =	shalt  }
0x43: {  	_ =	shalt  }
0x44: {  	_ =	shalt  }
0x45: {  	_ =	shalt  }
0x46: {  	_ =	shalt  }
0x47: {  	_ =	shalt  }
0x48: {  	_ =	shalt  }
0x49: {  	_ =	shalt  }
0x4a: {  	_ =	shalt  }
0x4b: {  	_ =	shalt  }
0x4c: {  	_ =	shalt  }
0x4d: {  	_ =	shalt  }
0x4e: {  	_ =	shalt  }
0x4f: {  	_ =	shalt  }
0x50: {  	_ =	shalt  }
0x51: {  	_ =	shalt  }
0x52: {  	_ =	shalt  }
0x53: {  	_ =	shalt  }
0x54: {  	_ =	shalt  }
0x55: {  	_ =	shalt  }
0x56: {  	_ =	shalt  }
0x57: {  	_ =	shalt  }
0x58: {  	_ =	shalt  }
0x59: {  	_ =	shalt  }
0x5a: {  	_ =	shalt  }
0x5b: {  	_ =	shalt  }
0x5c: {  	_ =	shalt  }
0x5d: {  	_ =	shalt  }
0x5e: {  	_ =	shalt  }
0x5f: {  	_ =	shalt  }
0x60: {  	_ =	shalt  }
0x61: {  	_ =	shalt  }
0x62: {  	_ =	shalt  }
0x63: {  	_ =	shalt  }
0x64: {  	_ =	shalt  }
0x65: {  	_ =	shalt  }
0x66: {  	_ =	shalt  }
0x67: {  	_ =	shalt  }
0x68: {  	_ =	shalt  }
0x69: {  	_ =	shalt  }
0x6a: {  	_ =	shalt  }
0x6b: {  	_ =	shalt  }
0x6c: {  	_ =	shalt  }
0x6d: {  	_ =	shalt  }
0x6e: {  	_ =	shalt  }
0x6f: {  	_ =	shalt  }
0x70: {  	_ =	shalt  }
0x71: {  	_ =	shalt  }
0x72: {  	_ =	shalt  }
0x73: {  	_ =	shalt  }
0x74: {  	_ =	shalt  }
0x75: {  	_ =	shalt  }
0x76: {  	_ =	shalt  }
0x77: {  	_ =	shalt  }
0x78: {  	_ =	shalt  }
0x79: {  	_ =	shalt  }
0x7a: {  	_ =	shalt  }
0x7b: {  	_ =	shalt  }
0x7c: {  	_ =	shalt  }
0x7d: {  	_ =	shalt  }
0x7e: {  	_ =	shalt  }
0x7f: {  	_ =	shalt  }
0x80: {  	_ =	shalt  }
0x81: {  	_ =	shalt  }
0x82: {  	_ =	shalt  }
0x83: {  	_ =	shalt  }
0x84: {  	_ =	shalt  }
0x85: {  	_ =	shalt  }
0x86: {  	_ =	shalt  }
0x87: {  	_ =	shalt  }
.Lfunc_end0:
.L_simem_size_0:
called_computation_lowered:
.L_overlay_start_0:
0x88: {  	s2 =	sld [smem:$0x3FD9]  }
0x89: {  	s3 =	sld [smem:$0x3FFE];
	_ =	sdelay $0x1  }
0x8a: {  	s1 =	srdreg.scid  }
0x8b: {  	s0 =	sand.u32 $0x1, s1  }
0x8c: {  	s14 =	sshll.u32 s0, $0xA;
	s2 =	sadd.s32 s3, s2  }
0x8d: {  	s2 =	sadd.s32 s2, s14  }
0x8e: {  	[smem:$0x3FC6] =	sst s2  }
0x8f: {  	_ = 	snop  }
0x90: {  	s2 =	sld [smem:$0x3FD0];
	_ =	sdelay $0x2  }
0x91: {  	s15 =	simm.s32 $0xA;
	s4 =	simm.s32 $0x10  }
0x92: {  	[smem:s4], [sflag:s15] =	dma.local [hbm:s2], $0x1  }
0x93: {  	_ =	swait.eq [sflag:s15], $0x1  }
0x94: {  	[sflag:s15] =	ssyncset.done $0x0  }
0x95: {  	[sflag:s15] =	ssyncadd.s32 $0xFFFFFFFF  }
0x96: {  	s16 =	sld [smem:$0x10];
	(tm) =	ssettm $0x1  }
0x97: {  	s17 =	sld [smem:$0x3FFB];
	_ =	sdelay $0x3  }
0x98: {  	_ =	strace s17  }
0x99: {  	s3 =	sld [smem:$0x3FFC];
	_ =	sdelay $0x3  }
0x9a: {  	_ =	strace s3  }
0x9b: {  	s3 =	sld [smem:$0x3FFD];
	_ =	sdelay $0x3  }
0x9c: {  	_ =	strace s3  }
0x9d: {  	_ =	strace $0x8FFFFFFF  }
0x9e: {  	s18 =	sld [smem:$0x3FDB];
	_ =	sdelay $0x1  }
0x9f: {  	s19 =	simm.s32 $_scs_section_size  }
0xa0: {  	s5 =	simm.s32 $_size__tile_overlayer_lowered;
	s6 =	simm.s32 $_tile_overlayer_lowered  }
0xa1: {  	s22 =	simm.s32 $0x1BFF;
	s21 =	sshll.u32 s6, $0x1;
	s3 =	sadd.s32 s19, s18  }
0xa2: {  	s7 =	simm.s32 $0x0;
	s20 =	sshll.u32 s5, $0x1;
	s5 =	sadd.s32 s21, s3  }
0xa3: {  	[timem:s7], [sflag:s22] =	dma.local [hbm:s5], s20  }
0xa4: {  	_ =	swait.ge [sflag:s22], s20  }
0xa5: {  	s4 =	ssub.s32 $0x0, s20;
	[sflag:s22] =	ssyncset.done $0x0  }
0xa6: {  	[sflag:s22] =	ssyncadd.s32 s4;
	_ =	sdelay $0x1  }
0xa7: {  	s23 =	simm.s32 $0x1B8B  }
0xa8: {  	_ =	swait.ge [sflag:s23], $0x1  }
0xa9: {  	[sflag:s23] =	ssyncset.done $0x0  }
0xaa: {  	s25 =	simm.s32 $0x1B8E;
	s24 =	sld [smem:$0x3FFE];
	[sflag:s23] =	ssyncadd.s32 $0xFFFFFFFF  }
0xab: {  	s26 =	simm.s32 $execute0_lowered;
	[smem:$0x3FD2] =	sst s25  }
0xac: {  	s5 =	sshll.u32 s26, $0x1;
	_ =	strace $0x80000046;
	[dreg:$0x1] =	wrdreg $0xFFFFFFFF  }
0xad: {  	s28 =	simm.s32 $_size_execute0_lowered;
	s3 =	sadd.s32 s3, s5;
	[dreg:$0x0] =	wrdreg $0x0  }
0xae: {  	s5 =	sshll.u32 s28, $0x1;
	[dreg:$0x2] =	wrdreg s3  }
0xaf: {  	[dreg:$0x3] =	wrdreg s5  }
0xb0: {  	[dreg:$0x4] =	wrdreg $0xC0  }
0xb1: {  	_ =	task [dreg:s7], $0x5FFFF  }
0xb2: {  	[dreg:$0x1] =	wrdreg $0xFFFFFFFF  }
0xb3: {  	[dreg:$0x0] =	wrdreg $0x60  }
0xb4: {  	[dreg:$0x2] =	wrdreg s24  }
0xb5: {  	[dreg:$0x3] =	wrdreg s16  }
0xb6: {  	[dreg:$0x4] =	wrdreg $0x9  }
0xb7: {  	_ =	task.clear_ibuf [dreg:s7], $0x5FFFF;
	_ =	strace $0x90000046  }
0xb8: {  	s29 =	simm.s32 $0x9;
	_ =	strace $0x80000048  }
0xb9: {  	_ =	swait.ge [sflag:s29], $0x1  }
0xba: {  	[sflag:s29] =	ssyncadd.s32 $0xFFFFFFFF  }
0xbb: {  	_ =	strace $0x90000048  }
0xbc: {  	_ =	sfence  }
0xbd: {  	s30 =	sld [smem:$0x0];
	_ =	sdelay $0x2  }
0xbe: {  	s31 =	sshll.u32 s1, $0xD;
	s1 =	sshrl.u32 s1, $0x2  }
0xbf: {  	s3 =	sand.u32 $0x4000, s31;
	s1 =	sadd.s32 s1, s30  }
0xc0: {  	s0 =	sor.u32 s3, s0;
	s1 =	sshll.u32 s1, $0x11  }
0xc1: {  	s0 =	sor.u32 s1, s0  }
0xc2: {  	s0 =	sadd.s32 $0x8F2B, s0  }
0xc3: {  	[sflag:s0] =	ssyncadd.remote.s32 $0x1  }
0xc4: {  	_ =	sfence.sel $0xFFFF  }
0xc5: {  	[dreg:$0x0] =	wrdreg $0xFFFFFFFF;
	(pc) =	sbr.abs _section_cstart, $3  }
0xc6: {  	[dreg:$0x1] =	wrdreg $0xFFFFFFFF  }
0xc7: {  	_ =	task.clear_ibuf [dreg:s7], $0x2FFFF;
	_ =	strace $0x9FFFFFFF  }
0xc8: {  	(tm) =	ssettm $0x7FFFFFFF  }
0xc9: {  	_ =	shalt  }
tec
execute0_lowered:
.L_overlay_start_1:
0x0: {  	(tag) =	ssettag $0x1  }
0x1: {  	s4 =	stileid.u32  }
0x2: {  	s0 =	rddreg [dreg:$0x0];
	s1 =	srdreg.scid;
	s2 =	sshll.u32 s4, $0x1  }
0x3: {  	s1 =	sand.u32 $0x1, s1;
	s4 =	sshrl.u32 s4, $0x2;
	s2 =	sand.u32 $0x6, s2  }
0x4: {  	s3 =	rddreg [dreg:$0x1];
	s7 =	sshll.u32 s4, $0xA;
	s5 =	sor.u32 s1, s2  }
0x5: {  	s4 =	sshll.u32 s4, $0x8;
	s6 =	sshll.u32 s5, $0x7;
	s5 =	sshll.u32 s5, $0x11  }
0x6: {  	s2 =	simm.s32 $0x0;
	s6 =	sor.u32 s7, s6;
	s4 =	sor.u32 s4, s5  }
0x7: {  	[smem:$0x7FF] =	sst s2;
	s6 =	sadd.s32 s6, s0;
	s5 =	sadd.s32 s3, s4  }
0x8: {  	_ =	strace $0x80000047;
	s14 =	sadd.s32 $0x20600, s6;
	[dreg:$0x12] =	wrdreg s5  }
0x9: {  	s15 =	sadd.s32 $0x20610, s6;
	[dreg:$0x3] =	wrdreg s14  }
0xa: {  	s16 =	sadd.s32 $0x4000, s5;
	[dreg:$0x4] =	wrdreg s15  }
0xb: {  	s17 =	sadd.s32 $0x20620, s6;
	[dreg:$0x5] =	wrdreg s16  }
0xc: {  	s18 =	sadd.s32 $0x8000, s5;
	[dreg:$0x6] =	wrdreg s17  }
0xd: {  	s19 =	sadd.s32 $0x20630, s6;
	[dreg:$0x7] =	wrdreg s18  }
0xe: {  	s20 =	sadd.s32 $0xC000, s5;
	[dreg:$0x8] =	wrdreg s19  }
0xf: {  	s21 =	sadd.s32 $0x20640, s6;
	[dreg:$0x9] =	wrdreg s20  }
0x10: {  	s22 =	sadd.s32 $0x10000, s5;
	[dreg:$0xa] =	wrdreg s21  }
0x11: {  	s28 =	simm.s32 $0x8100;
	s23 =	sadd.s32 $0x20650, s6;
	[dreg:$0xb] =	wrdreg s22  }
0x12: {  	s1 =	ssub.s32 $0x2, s1;
	s24 =	sadd.s32 $0x14000, s5;
	[dreg:$0xc] =	wrdreg s23  }
0x13: {  	s29 =	sshrl.u32 s1, $0x1;
	s25 =	sadd.s32 $0x20660, s6;
	[dreg:$0xd] =	wrdreg s24  }
0x14: {  	s1 =	ssub.s32 s1, s29;
	s26 =	sadd.s32 $0x18000, s5;
	[dreg:$0xe] =	wrdreg s25  }
0x15: {  	s4 =	sadd.s32 $0x600, s0;
	s30 =	sadd.s32 $0x20670, s6;
	[dreg:$0xf] =	wrdreg s26  }
0x16: {  	s31 =	sadd.s32 $0x1C000, s5;
	s5 =	smax.u32 s1, $0x1;
	[dreg:$0x10] =	wrdreg s30  }
0x17: {  	v2 =	vlaneseq.u32;
	s6 =	simm.s32 $0x5;
	[dreg:$0x11] =	wrdreg s31;
	s16 =	simm.s32 $0x100  }
0x18: {  	vm0 =	vmmov $0xffff;
	v1 =	vshrl.u32 v2, $0x3;
	s23 =	simm.s32 $0x1;
	s24 =	simm.s32 $0x800;
	s25 =	simm.s32 $0x2000  }
0x19: {  	v0 =	vand.u32 $0x7, v2;
	v2 =	vor.u32 $0x8, v2;
	v1 =	vmul.u32 $0x8, v1;
	s17 =	simm.s32 $0x2;
	s18 =	simm.s32 $0x3;
	s19 =	simm.s32 $0x4  }
.LBB2_1:
0x1a: {  	s20 =	rddreg [dreg:$0x3]  }
0x1b: {  	[tilespmem:s2], [sflag:$0x5] =	stream.linear.gather [hbm4b:s20+s2], $0x80, $0x38;
	[tilespmem:$0x10100] =	vst v63  }
0x1c: {  	_ =	swait.ge [sflag:s6], $0x80  }
0x1d: {  	[sflag:s6] =	ssyncset.done $0x0  }
0x1e: {  	[sflag:s6] =	ssyncadd.s32 $0xFFFFFF80  }
0x1f: {  	v3 =	vld [tilespmem:$0x0];
	_ =	sdelay $0x4  }
0x20: {  	v4 =	vshll.u32 v3, $0x1  }
0x21: {  	v3 =	vand.u32 $0x7, v3;
	v4 =	vand.u32 $0xFFFFFFF0, v4  }
0x22: {  	v3 =	vor.u32 v3, v4  }
0x23: {  	v4 =	vperm.xlane v3, v0;
	_ =	sdelay $0x1  }
0x24: {  	v3 =	vperm.xlane v3, v2;
	v4 =	vadd.s32 v1, v4;
	_ =	sdelay $0x1  }
0x25: {  	v3 =	vadd.s32 v1, v3;
	_ =	sdelay $0x2  }
0x26: {  	[tilespmem:s16], [sflag:$0x1] =	stream.indirect_vreg.gather [hbm4b:s4+s2], $0x80, v4, vm0, $0xb8;
	[tilespmem:$0x10100] =	vst v63  }
0x27: {  	s0 =	simm.s32 $0x900  }
0x28: {  	[tilespmem:s0], [sflag:$0x1] =	stream.indirect_vreg.gather [hbm4b:s4+s2], $0x80, v3, vm0, $0xb8;
	[tilespmem:$0x10100] =	vst v63  }
0x29: {  	v3 =	vld [tilespmem:$0x10];
	_ =	sdelay $0x4  }
0x2a: {  	v57 =	vshll.u32 v3, $0x1  }
0x2b: {  	v3 =	vand.u32 $0x7, v3;
	v4 =	vand.u32 $0xFFFFFFF0, v57  }
0x2c: {  	v3 =	vor.u32 v3, v4  }
0x2d: {  	v4 =	vperm.xlane v3, v0;
	_ =	sdelay $0x1  }
0x2e: {  	v3 =	vperm.xlane v3, v2;
	v4 =	vadd.s32 v1, v4;
	_ =	sdelay $0x1  }
0x2f: {  	v3 =	vadd.s32 v1, v3;
	_ =	sdelay $0x1  }
0x30: {  	s22 =	simm.s32 $0x1100  }
0x31: {  	[tilespmem:s22], [sflag:$0x1] =	stream.indirect_vreg.gather [hbm4b:s4+s2], $0x80, v4, vm0, $0xb8;
	[tilespmem:$0x10100] =	vst v63  }
0x32: {  	s26 =	simm.s32 $0x1900  }
0x33: {  	[tilespmem:s26], [sflag:$0x1] =	stream.indirect_vreg.gather [hbm4b:s4+s2], $0x80, v3, vm0, $0xb8;
	[tilespmem:$0x10100] =	vst v63  }
0x34: {  	v3 =	vld [tilespmem:$0x20];
	_ =	sdelay $0x4  }
0x35: {  	v58 =	vshll.u32 v3, $0x1  }
0x36: {  	v3 =	vand.u32 $0x7, v3;
	v4 =	vand.u32 $0xFFFFFFF0, v58  }
0x37: {  	v3 =	vor.u32 v3, v4  }
0x38: {  	v4 =	vperm.xlane v3, v0;
	_ =	sdelay $0x1  }
0x39: {  	v3 =	vperm.xlane v3, v2;
	v4 =	vadd.s32 v1, v4;
	_ =	sdelay $0x1  }
0x3a: {  	v3 =	vadd.s32 v1, v3;
	_ =	sdelay $0x1  }
0x3b: {  	s29 =	simm.s32 $0x2100  }
0x3c: {  	[tilespmem:s29], [sflag:$0x1] =	stream.indirect_vreg.gather [hbm4b:s4+s2], $0x80, v4, vm0, $0xb8;
	[tilespmem:$0x10100] =	vst v63  }
0x3d: {  	s30 =	simm.s32 $0x2900  }
0x3e: {  	[tilespmem:s30], [sflag:$0x1] =	stream.indirect_vreg.gather [hbm4b:s4+s2], $0x80, v3, vm0, $0xb8;
	[tilespmem:$0x10100] =	vst v63  }
0x3f: {  	v3 =	vld [tilespmem:$0x30];
	_ =	sdelay $0x4  }
0x40: {  	v59 =	vshll.u32 v3, $0x1  }
0x41: {  	v3 =	vand.u32 $0x7, v3;
	v4 =	vand.u32 $0xFFFFFFF0, v59  }
0x42: {  	v3 =	vor.u32 v3, v4  }
0x43: {  	v4 =	vperm.xlane v3, v0;
	_ =	sdelay $0x1  }
0x44: {  	v3 =	vperm.xlane v3, v2;
	v4 =	vadd.s32 v1, v4;
	_ =	sdelay $0x1  }
0x45: {  	v3 =	vadd.s32 v1, v3;
	_ =	sdelay $0x1  }
0x46: {  	s31 =	simm.s32 $0x3100  }
0x47: {  	[tilespmem:s31], [sflag:$0x1] =	stream.indirect_vreg.gather [hbm4b:s4+s2], $0x80, v4, vm0, $0xb8;
	[tilespmem:$0x10100] =	vst v63  }
0x48: {  	s8 =	simm.s32 $0x3900  }
0x49: {  	[tilespmem:s8], [sflag:$0x1] =	stream.indirect_vreg.gather [hbm4b:s4+s2], $0x80, v3, vm0, $0xb8;
	[tilespmem:$0x10100] =	vst v63  }
0x4a: {  	v3 =	vld [tilespmem:$0x40];
	_ =	sdelay $0x4  }
0x4b: {  	v60 =	vshll.u32 v3, $0x1  }
0x4c: {  	v3 =	vand.u32 $0x7, v3;
	v4 =	vand.u32 $0xFFFFFFF0, v60  }
0x4d: {  	v3 =	vor.u32 v3, v4  }
0x4e: {  	v4 =	vperm.xlane v3, v0;
	_ =	sdelay $0x1  }
0x4f: {  	v3 =	vperm.xlane v3, v2;
	v4 =	vadd.s32 v1, v4;
	_ =	sdelay $0x1  }
0x50: {  	v3 =	vadd.s32 v1, v3;
	_ =	sdelay $0x1  }
0x51: {  	s9 =	simm.s32 $0x4100  }
0x52: {  	[tilespmem:s9], [sflag:$0x1] =	stream.indirect_vreg.gather [hbm4b:s4+s2], $0x80, v4, vm0, $0xb8;
	[tilespmem:$0x10100] =	vst v63  }
0x53: {  	s10 =	simm.s32 $0x4900  }
0x54: {  	[tilespmem:s10], [sflag:$0x1] =	stream.indirect_vreg.gather [hbm4b:s4+s2], $0x80, v3, vm0, $0xb8;
	[tilespmem:$0x10100] =	vst v63  }
0x55: {  	v3 =	vld [tilespmem:$0x50];
	_ =	sdelay $0x4  }
0x56: {  	v61 =	vshll.u32 v3, $0x1  }
0x57: {  	v3 =	vand.u32 $0x7, v3;
	v4 =	vand.u32 $0xFFFFFFF0, v61  }
0x58: {  	v3 =	vor.u32 v3, v4  }
0x59: {  	v4 =	vperm.xlane v3, v0;
	_ =	sdelay $0x1  }
0x5a: {  	v3 =	vperm.xlane v3, v2;
	v4 =	vadd.s32 v1, v4;
	_ =	sdelay $0x1  }
0x5b: {  	v3 =	vadd.s32 v1, v3;
	_ =	sdelay $0x1  }
0x5c: {  	s12 =	simm.s32 $0x5100  }
0x5d: {  	[tilespmem:s12], [sflag:$0x1] =	stream.indirect_vreg.gather [hbm4b:s4+s2], $0x80, v4, vm0, $0xb8;
	[tilespmem:$0x10100] =	vst v63  }
0x5e: {  	s13 =	simm.s32 $0x5900  }
0x5f: {  	[tilespmem:s13], [sflag:$0x1] =	stream.indirect_vreg.gather [hbm4b:s4+s2], $0x80, v3, vm0, $0xb8;
	[tilespmem:$0x10100] =	vst v63  }
0x60: {  	v3 =	vld [tilespmem:$0x60];
	_ =	sdelay $0x4  }
0x61: {  	v62 =	vshll.u32 v3, $0x1  }
0x62: {  	v3 =	vand.u32 $0x7, v3;
	v4 =	vand.u32 $0xFFFFFFF0, v62  }
0x63: {  	v3 =	vor.u32 v3, v4  }
0x64: {  	v4 =	vperm.xlane v3, v0;
	_ =	sdelay $0x1  }
0x65: {  	v3 =	vperm.xlane v3, v2;
	v4 =	vadd.s32 v1, v4;
	_ =	sdelay $0x1  }
0x66: {  	v3 =	vadd.s32 v1, v3;
	_ =	sdelay $0x1  }
0x67: {  	s14 =	simm.s32 $0x6100  }
0x68: {  	[tilespmem:s14], [sflag:$0x1] =	stream.indirect_vreg.gather [hbm4b:s4+s2], $0x80, v4, vm0, $0xb8;
	[tilespmem:$0x10100] =	vst v63  }
0x69: {  	s15 =	simm.s32 $0x6900  }
0x6a: {  	[tilespmem:s15], [sflag:$0x1] =	stream.indirect_vreg.gather [hbm4b:s4+s2], $0x80, v3, vm0, $0xb8;
	[tilespmem:$0x10100] =	vst v63  }
0x6b: {  	v3 =	vld [tilespmem:$0x70];
	_ =	sdelay $0x4  }
0x6c: {  	v63 =	vshll.u32 v3, $0x1  }
0x6d: {  	v3 =	vand.u32 $0x7, v3;
	v4 =	vand.u32 $0xFFFFFFF0, v63  }
0x6e: {  	v3 =	vor.u32 v3, v4  }
0x6f: {  	v4 =	vperm.xlane v3, v0;
	_ =	sdelay $0x1  }
0x70: {  	v3 =	vperm.xlane v3, v2;
	v4 =	vadd.s32 v1, v4;
	_ =	sdelay $0x1  }
0x71: {  	v3 =	vadd.s32 v1, v3;
	_ =	sdelay $0x1  }
0x72: {  	s20 =	simm.s32 $0x7100  }
0x73: {  	[tilespmem:s20], [sflag:$0x1] =	stream.indirect_vreg.gather [hbm4b:s4+s2], $0x80, v4, vm0, $0xb8;
	[tilespmem:$0x10100] =	vst v63  }
0x74: {  	s21 =	simm.s32 $0x7900  }
0x75: {  	[tilespmem:s21], [sflag:$0x1] =	stream.indirect_vreg.gather [hbm4b:s4+s2], $0x80, v3, vm0, $0xb8;
	[tilespmem:$0x10100] =	vst v63  }
0x76: {  	_ =	swait.ge [sflag:s23], $0x8000  }
0x77: {  	[sflag:s23] =	ssyncset.done $0x0  }
0x78: {  	s21 =	rddreg [dreg:$0x12];
	[sflag:s23] =	ssyncadd.s32 $0xFFFF8000  }
0x79: {  	[hbm4b:s21+s24] =	stream.strided.scatter [tilespmem:s16], [sflag:$0x3], $0x8000, s25, s24, $0x38;
	[tilespmem:$0x10100] =	vst v63  }
0x7a: {  	s26 =	simm.s32 $0x80;
	s22 =	rddreg [dreg:$0x4]  }
0x7b: {  	[tilespmem:s26], [sflag:$0x5] =	stream.linear.gather [hbm4b:s22+s2], $0x80, $0x38;
	[tilespmem:$0x10100] =	vst v63  }
0x7c: {  	_ =	swait.ge [sflag:s6], $0x80  }
0x7d: {  	[sflag:s6] =	ssyncset.done $0x0  }
0x7e: {  	[sflag:s6] =	ssyncadd.s32 $0xFFFFFF80  }
0x7f: {  	v3 =	vld [tilespmem:$0x80];
	_ =	sdelay $0x4  }
0x80: {  	v8 =	vshll.u32 v3, $0x1  }
0x81: {  	v3 =	vand.u32 $0x7, v3;
	v4 =	vand.u32 $0xFFFFFFF0, v8  }
0x82: {  	v3 =	vor.u32 v3, v4  }
0x83: {  	v4 =	vperm.xlane v3, v0;
	_ =	sdelay $0x1  }
0x84: {  	v3 =	vperm.xlane v3, v2;
	v4 =	vadd.s32 v1, v4;
	_ =	sdelay $0x1  }
0x85: {  	v3 =	vadd.s32 v1, v3;
	_ =	sdelay $0x2  }
0x86: {  	[tilespmem:s28], [sflag:$0x2] =	stream.indirect_vreg.gather [hbm4b:s4+s2], $0x80, v4, vm0, $0xb8;
	[tilespmem:$0x10100] =	vst v63  }
0x87: {  	s29 =	simm.s32 $0x8900  }
0x88: {  	[tilespmem:s29], [sflag:$0x2] =	stream.indirect_vreg.gather [hbm4b:s4+s2], $0x80, v3, vm0, $0xb8;
	[tilespmem:$0x10100] =	vst v63  }
0x89: {  	v3 =	vld [tilespmem:$0x90];
	_ =	sdelay $0x4  }
0x8a: {  	v9 =	vshll.u32 v3, $0x1  }
0x8b: {  	v3 =	vand.u32 $0x7, v3;
	v4 =	vand.u32 $0xFFFFFFF0, v9  }
0x8c: {  	v3 =	vor.u32 v3, v4  }
0x8d: {  	v4 =	vperm.xlane v3, v0;
	_ =	sdelay $0x1  }
0x8e: {  	v3 =	vperm.xlane v3, v2;
	v4 =	vadd.s32 v1, v4;
	_ =	sdelay $0x1  }
0x8f: {  	v3 =	vadd.s32 v1, v3;
	_ =	sdelay $0x1  }
0x90: {  	s30 =	simm.s32 $0x9100  }
0x91: {  	[tilespmem:s30], [sflag:$0x2] =	stream.indirect_vreg.gather [hbm4b:s4+s2], $0x80, v4, vm0, $0xb8;
	[tilespmem:$0x10100] =	vst v63  }
0x92: {  	s0 =	simm.s32 $0x9900  }
0x93: {  	[tilespmem:s0], [sflag:$0x2] =	stream.indirect_vreg.gather [hbm4b:s4+s2], $0x80, v3, vm0, $0xb8;
	[tilespmem:$0x10100] =	vst v63  }
0x94: {  	v3 =	vld [tilespmem:$0xA0];
	_ =	sdelay $0x4  }
0x95: {  	v10 =	vshll.u32 v3, $0x1  }
0x96: {  	v3 =	vand.u32 $0x7, v3;
	v4 =	vand.u32 $0xFFFFFFF0, v10  }
0x97: {  	v3 =	vor.u32 v3, v4  }
0x98: {  	v4 =	vperm.xlane v3, v0;
	_ =	sdelay $0x1  }
0x99: {  	v3 =	vperm.xlane v3, v2;
	v4 =	vadd.s32 v1, v4;
	_ =	sdelay $0x1  }
0x9a: {  	v3 =	vadd.s32 v1, v3;
	_ =	sdelay $0x1  }
0x9b: {  	s12 =	simm.s32 $0xA100  }
0x9c: {  	[tilespmem:s12], [sflag:$0x2] =	stream.indirect_vreg.gather [hbm4b:s4+s2], $0x80, v4, vm0, $0xb8;
	[tilespmem:$0x10100] =	vst v63  }
0x9d: {  	s14 =	simm.s32 $0xA900  }
0x9e: {  	[tilespmem:s14], [sflag:$0x2] =	stream.indirect_vreg.gather [hbm4b:s4+s2], $0x80, v3, vm0, $0xb8;
	[tilespmem:$0x10100] =	vst v63  }
0x9f: {  	v3 =	vld [tilespmem:$0xB0];
	_ =	sdelay $0x4  }
0xa0: {  	v11 =	vshll.u32 v3, $0x1  }
0xa1: {  	v3 =	vand.u32 $0x7, v3;
	v4 =	vand.u32 $0xFFFFFFF0, v11  }
0xa2: {  	v3 =	vor.u32 v3, v4  }
0xa3: {  	v4 =	vperm.xlane v3, v0;
	_ =	sdelay $0x1  }
0xa4: {  	v3 =	vperm.xlane v3, v2;
	v4 =	vadd.s32 v1, v4;
	_ =	sdelay $0x1  }
0xa5: {  	v3 =	vadd.s32 v1, v3;
	_ =	sdelay $0x1  }
0xa6: {  	s15 =	simm.s32 $0xB100  }
0xa7: {  	[tilespmem:s15], [sflag:$0x2] =	stream.indirect_vreg.gather [hbm4b:s4+s2], $0x80, v4, vm0, $0xb8;
	[tilespmem:$0x10100] =	vst v63  }
0xa8: {  	s21 =	simm.s32 $0xB900  }
0xa9: {  	[tilespmem:s21], [sflag:$0x2] =	stream.indirect_vreg.gather [hbm4b:s4+s2], $0x80, v3, vm0, $0xb8;
	[tilespmem:$0x10100] =	vst v63  }
0xaa: {  	v3 =	vld [tilespmem:$0xC0];
	_ =	sdelay $0x4  }
0xab: {  	v12 =	vshll.u32 v3, $0x1  }
0xac: {  	v3 =	vand.u32 $0x7, v3;
	v4 =	vand.u32 $0xFFFFFFF0, v12  }
0xad: {  	v3 =	vor.u32 v3, v4  }
0xae: {  	v4 =	vperm.xlane v3, v0;
	_ =	sdelay $0x1  }
0xaf: {  	v3 =	vperm.xlane v3, v2;
	v4 =	vadd.s32 v1, v4;
	_ =	sdelay $0x1  }
0xb0: {  	v3 =	vadd.s32 v1, v3;
	_ =	sdelay $0x1  }
0xb1: {  	s22 =	simm.s32 $0xC100  }
0xb2: {  	[tilespmem:s22], [sflag:$0x2] =	stream.indirect_vreg.gather [hbm4b:s4+s2], $0x80, v4, vm0, $0xb8;
	[tilespmem:$0x10100] =	vst v63  }
0xb3: {  	s26 =	simm.s32 $0xC900  }
0xb4: {  	[tilespmem:s26], [sflag:$0x2] =	stream.indirect_vreg.gather [hbm4b:s4+s2], $0x80, v3, vm0, $0xb8;
	[tilespmem:$0x10100] =	vst v63  }
0xb5: {  	v3 =	vld [tilespmem:$0xD0];
	_ =	sdelay $0x4  }
0xb6: {  	v13 =	vshll.u32 v3, $0x1  }
0xb7: {  	v3 =	vand.u32 $0x7, v3;
	v4 =	vand.u32 $0xFFFFFFF0, v13  }
0xb8: {  	v3 =	vor.u32 v3, v4  }
0xb9: {  	v4 =	vperm.xlane v3, v0;
	_ =	sdelay $0x1  }
0xba: {  	v3 =	vperm.xlane v3, v2;
	v4 =	vadd.s32 v1, v4;
	_ =	sdelay $0x1  }
0xbb: {  	v3 =	vadd.s32 v1, v3;
	_ =	sdelay $0x1  }
0xbc: {  	s29 =	simm.s32 $0xD100  }
0xbd: {  	[tilespmem:s29], [sflag:$0x2] =	stream.indirect_vreg.gather [hbm4b:s4+s2], $0x80, v4, vm0, $0xb8;
	[tilespmem:$0x10100] =	vst v63  }
0xbe: {  	s30 =	simm.s32 $0xD900  }
0xbf: {  	[tilespmem:s30], [sflag:$0x2] =	stream.indirect_vreg.gather [hbm4b:s4+s2], $0x80, v3, vm0, $0xb8;
	[tilespmem:$0x10100] =	vst v63  }
0xc0: {  	v3 =	vld [tilespmem:$0xE0];
	_ =	sdelay $0x4  }
0xc1: {  	v14 =	vshll.u32 v3, $0x1  }
0xc2: {  	v3 =	vand.u32 $0x7, v3;
	v4 =	vand.u32 $0xFFFFFFF0, v14  }
0xc3: {  	v3 =	vor.u32 v3, v4  }
0xc4: {  	v4 =	vperm.xlane v3, v0;
	_ =	sdelay $0x1  }
0xc5: {  	v3 =	vperm.xlane v3, v2;
	v4 =	vadd.s32 v1, v4;
	_ =	sdelay $0x1  }
0xc6: {  	v3 =	vadd.s32 v1, v3;
	_ =	sdelay $0x1  }
0xc7: {  	s0 =	simm.s32 $0xE100  }
0xc8: {  	[tilespmem:s0], [sflag:$0x2] =	stream.indirect_vreg.gather [hbm4b:s4+s2], $0x80, v4, vm0, $0xb8;
	[tilespmem:$0x10100] =	vst v63  }
0xc9: {  	s12 =	simm.s32 $0xE900  }
0xca: {  	[tilespmem:s12], [sflag:$0x2] =	stream.indirect_vreg.gather [hbm4b:s4+s2], $0x80, v3, vm0, $0xb8;
	[tilespmem:$0x10100] =	vst v63  }
0xcb: {  	v3 =	vld [tilespmem:$0xF0];
	_ =	sdelay $0x4  }
0xcc: {  	v15 =	vshll.u32 v3, $0x1  }
0xcd: {  	v3 =	vand.u32 $0x7, v3;
	v4 =	vand.u32 $0xFFFFFFF0, v15  }
0xce: {  	v3 =	vor.u32 v3, v4  }
0xcf: {  	v4 =	vperm.xlane v3, v0;
	_ =	sdelay $0x1  }
0xd0: {  	v3 =	vperm.xlane v3, v2;
	v4 =	vadd.s32 v1, v4;
	_ =	sdelay $0x1  }
0xd1: {  	v3 =	vadd.s32 v1, v3;
	_ =	sdelay $0x1  }
0xd2: {  	s21 =	simm.s32 $0xF100  }
0xd3: {  	[tilespmem:s21], [sflag:$0x2] =	stream.indirect_vreg.gather [hbm4b:s4+s2], $0x80, v4, vm0, $0xb8;
	[tilespmem:$0x10100] =	vst v63  }
0xd4: {  	s30 =	simm.s32 $0xF900  }
0xd5: {  	[tilespmem:s30], [sflag:$0x2] =	stream.indirect_vreg.gather [hbm4b:s4+s2], $0x80, v3, vm0, $0xb8;
	[tilespmem:$0x10100] =	vst v63  }
0xd6: {  	_ =	swait.ge [sflag:s17], $0x8000  }
0xd7: {  	[sflag:s17] =	ssyncset.done $0x0  }
0xd8: {  	s0 =	rddreg [dreg:$0x5];
	[sflag:s17] =	ssyncadd.s32 $0xFFFF8000  }
0xd9: {  	[hbm4b:s0+s24] =	stream.strided.scatter [tilespmem:s28], [sflag:$0x4], $0x8000, s25, s24, $0x38;
	[tilespmem:$0x10100] =	vst v63  }
0xda: {  	s12 =	rddreg [dreg:$0x6]  }
0xdb: {  	[tilespmem:s2], [sflag:$0x5] =	stream.linear.gather [hbm4b:s12+s2], $0x80, $0x38;
	[tilespmem:$0x10100] =	vst v63  }
0xdc: {  	_ =	swait.ge [sflag:s6], $0x80  }
0xdd: {  	[sflag:s6] =	ssyncset.done $0x0  }
0xde: {  	[sflag:s6] =	ssyncadd.s32 $0xFFFFFF80  }
0xdf: {  	_ =	swait.ge [sflag:s18], $0x8000  }
0xe0: {  	[sflag:s18] =	ssyncset.done $0x0  }
0xe1: {  	[sflag:s18] =	ssyncadd.s32 $0xFFFF8000  }
0xe2: {  	v3 =	vld [tilespmem:$0x0];
	_ =	sdelay $0x4  }
0xe3: {  	v16 =	vshll.u32 v3, $0x1  }
0xe4: {  	v3 =	vand.u32 $0x7, v3;
	v4 =	vand.u32 $0xFFFFFFF0, v16  }
0xe5: {  	v3 =	vor.u32 v3, v4  }
0xe6: {  	v4 =	vperm.xlane v3, v0;
	_ =	sdelay $0x1  }
0xe7: {  	v3 =	vperm.xlane v3, v2;
	v4 =	vadd.s32 v1, v4;
	_ =	sdelay $0x1  }
0xe8: {  	v3 =	vadd.s32 v1, v3;
	_ =	sdelay $0x2  }
0xe9: {  	[tilespmem:s16], [sflag:$0x1] =	stream.indirect_vreg.gather [hbm4b:s4+s2], $0x80, v4, vm0, $0xb8;
	[tilespmem:$0x10100] =	vst v63  }
0xea: {  	s1 =	simm.s32 $0x900  }
0xeb: {  	[tilespmem:s1], [sflag:$0x1] =	stream.indirect_vreg.gather [hbm4b:s4+s2], $0x80, v3, vm0, $0xb8;
	[tilespmem:$0x10100] =	vst v63  }
0xec: {  	v3 =	vld [tilespmem:$0x10];
	_ =	sdelay $0x4  }
0xed: {  	v17 =	vshll.u32 v3, $0x1  }
0xee: {  	v3 =	vand.u32 $0x7, v3;
	v4 =	vand.u32 $0xFFFFFFF0, v17  }
0xef: {  	v3 =	vor.u32 v3, v4  }
0xf0: {  	v4 =	vperm.xlane v3, v0;
	_ =	sdelay $0x1  }
0xf1: {  	v3 =	vperm.xlane v3, v2;
	v4 =	vadd.s32 v1, v4;
	_ =	sdelay $0x1  }
0xf2: {  	v3 =	vadd.s32 v1, v3;
	_ =	sdelay $0x1  }
0xf3: {  	s1 =	simm.s32 $0x1100  }
0xf4: {  	[tilespmem:s1], [sflag:$0x1] =	stream.indirect_vreg.gather [hbm4b:s4+s2], $0x80, v4, vm0, $0xb8;
	[tilespmem:$0x10100] =	vst v63  }
0xf5: {  	s7 =	simm.s32 $0x1900  }
0xf6: {  	[tilespmem:s7], [sflag:$0x1] =	stream.indirect_vreg.gather [hbm4b:s4+s2], $0x80, v3, vm0, $0xb8;
	[tilespmem:$0x10100] =	vst v63  }
0xf7: {  	v3 =	vld [tilespmem:$0x20];
	_ =	sdelay $0x4  }
0xf8: {  	v18 =	vshll.u32 v3, $0x1  }
0xf9: {  	v3 =	vand.u32 $0x7, v3;
	v4 =	vand.u32 $0xFFFFFFF0, v18  }
0xfa: {  	v3 =	vor.u32 v3, v4  }
0xfb: {  	v4 =	vperm.xlane v3, v0;
	_ =	sdelay $0x1  }
0xfc: {  	v3 =	vperm.xlane v3, v2;
	v4 =	vadd.s32 v1, v4;
	_ =	sdelay $0x1  }
0xfd: {  	v3 =	vadd.s32 v1, v3;
	_ =	sdelay $0x1  }
0xfe: {  	s3 =	simm.s32 $0x2100  }
0xff: {  	[tilespmem:s3], [sflag:$0x1] =	stream.indirect_vreg.gather [hbm4b:s4+s2], $0x80, v4, vm0, $0xb8;
	[tilespmem:$0x10100] =	vst v63  }
0x100: {  	s11 =	simm.s32 $0x2900  }
0x101: {  	[tilespmem:s11], [sflag:$0x1] =	stream.indirect_vreg.gather [hbm4b:s4+s2], $0x80, v3, vm0, $0xb8;
	[tilespmem:$0x10100] =	vst v63  }
0x102: {  	v3 =	vld [tilespmem:$0x30];
	_ =	sdelay $0x4  }
0x103: {  	v19 =	vshll.u32 v3, $0x1  }
0x104: {  	v3 =	vand.u32 $0x7, v3;
	v4 =	vand.u32 $0xFFFFFFF0, v19  }
0x105: {  	v3 =	vor.u32 v3, v4  }
0x106: {  	v4 =	vperm.xlane v3, v0;
	_ =	sdelay $0x1  }
0x107: {  	v3 =	vperm.xlane v3, v2;
	v4 =	vadd.s32 v1, v4;
	_ =	sdelay $0x1  }
0x108: {  	v3 =	vadd.s32 v1, v3;
	_ =	sdelay $0x1  }
0x109: {  	s3 =	simm.s32 $0x3100  }
0x10a: {  	[tilespmem:s3], [sflag:$0x1] =	stream.indirect_vreg.gather [hbm4b:s4+s2], $0x80, v4, vm0, $0xb8;
	[tilespmem:$0x10100] =	vst v63  }
0x10b: {  	s8 =	simm.s32 $0x3900  }
0x10c: {  	[tilespmem:s8], [sflag:$0x1] =	stream.indirect_vreg.gather [hbm4b:s4+s2], $0x80, v3, vm0, $0xb8;
	[tilespmem:$0x10100] =	vst v63  }
0x10d: {  	v3 =	vld [tilespmem:$0x40];
	_ =	sdelay $0x4  }
0x10e: {  	v20 =	vshll.u32 v3, $0x1  }
0x10f: {  	v3 =	vand.u32 $0x7, v3;
	v4 =	vand.u32 $0xFFFFFFF0, v20  }
0x110: {  	v3 =	vor.u32 v3, v4  }
0x111: {  	v4 =	vperm.xlane v3, v0;
	_ =	sdelay $0x1  }
0x112: {  	v3 =	vperm.xlane v3, v2;
	v4 =	vadd.s32 v1, v4;
	_ =	sdelay $0x1  }
0x113: {  	v3 =	vadd.s32 v1, v3;
	_ =	sdelay $0x1  }
0x114: {  	s7 =	simm.s32 $0x4100  }
0x115: {  	[tilespmem:s7], [sflag:$0x1] =	stream.indirect_vreg.gather [hbm4b:s4+s2], $0x80, v4, vm0, $0xb8;
	[tilespmem:$0x10100] =	vst v63  }
0x116: {  	s9 =	simm.s32 $0x4900  }
0x117: {  	[tilespmem:s9], [sflag:$0x1] =	stream.indirect_vreg.gather [hbm4b:s4+s2], $0x80, v3, vm0, $0xb8;
	[tilespmem:$0x10100] =	vst v63  }
0x118: {  	v3 =	vld [tilespmem:$0x50];
	_ =	sdelay $0x4  }
0x119: {  	v21 =	vshll.u32 v3, $0x1  }
0x11a: {  	v3 =	vand.u32 $0x7, v3;
	v4 =	vand.u32 $0xFFFFFFF0, v21  }
0x11b: {  	v3 =	vor.u32 v3, v4  }
0x11c: {  	v4 =	vperm.xlane v3, v0;
	_ =	sdelay $0x1  }
0x11d: {  	v3 =	vperm.xlane v3, v2;
	v4 =	vadd.s32 v1, v4;
	_ =	sdelay $0x1  }
0x11e: {  	v3 =	vadd.s32 v1, v3;
	_ =	sdelay $0x1  }
0x11f: {  	s8 =	simm.s32 $0x5100  }
0x120: {  	[tilespmem:s8], [sflag:$0x1] =	stream.indirect_vreg.gather [hbm4b:s4+s2], $0x80, v4, vm0, $0xb8;
	[tilespmem:$0x10100] =	vst v63  }
0x121: {  	s10 =	simm.s32 $0x5900  }
0x122: {  	[tilespmem:s10], [sflag:$0x1] =	stream.indirect_vreg.gather [hbm4b:s4+s2], $0x80, v3, vm0, $0xb8;
	[tilespmem:$0x10100] =	vst v63  }
0x123: {  	v3 =	vld [tilespmem:$0x60];
	_ =	sdelay $0x4  }
0x124: {  	v22 =	vshll.u32 v3, $0x1  }
0x125: {  	v3 =	vand.u32 $0x7, v3;
	v4 =	vand.u32 $0xFFFFFFF0, v22  }
0x126: {  	v3 =	vor.u32 v3, v4  }
0x127: {  	v4 =	vperm.xlane v3, v0;
	_ =	sdelay $0x1  }
0x128: {  	v3 =	vperm.xlane v3, v2;
	v4 =	vadd.s32 v1, v4;
	_ =	sdelay $0x1  }
0x129: {  	v3 =	vadd.s32 v1, v3;
	_ =	sdelay $0x1  }
0x12a: {  	s9 =	simm.s32 $0x6100  }
0x12b: {  	[tilespmem:s9], [sflag:$0x1] =	stream.indirect_vreg.gather [hbm4b:s4+s2], $0x80, v4, vm0, $0xb8;
	[tilespmem:$0x10100] =	vst v63  }
0x12c: {  	s11 =	simm.s32 $0x6900  }
0x12d: {  	[tilespmem:s11], [sflag:$0x1] =	stream.indirect_vreg.gather [hbm4b:s4+s2], $0x80, v3, vm0, $0xb8;
	[tilespmem:$0x10100] =	vst v63  }
0x12e: {  	v3 =	vld [tilespmem:$0x70];
	_ =	sdelay $0x4  }
0x12f: {  	v23 =	vshll.u32 v3, $0x1  }
0x130: {  	v3 =	vand.u32 $0x7, v3;
	v4 =	vand.u32 $0xFFFFFFF0, v23  }
0x131: {  	v3 =	vor.u32 v3, v4  }
0x132: {  	v4 =	vperm.xlane v3, v0;
	_ =	sdelay $0x1  }
0x133: {  	v3 =	vperm.xlane v3, v2;
	v4 =	vadd.s32 v1, v4;
	_ =	sdelay $0x1  }
0x134: {  	v3 =	vadd.s32 v1, v3;
	_ =	sdelay $0x1  }
0x135: {  	s10 =	simm.s32 $0x7100  }
0x136: {  	[tilespmem:s10], [sflag:$0x1] =	stream.indirect_vreg.gather [hbm4b:s4+s2], $0x80, v4, vm0, $0xb8;
	[tilespmem:$0x10100] =	vst v63  }
0x137: {  	s12 =	simm.s32 $0x7900  }
0x138: {  	[tilespmem:s12], [sflag:$0x1] =	stream.indirect_vreg.gather [hbm4b:s4+s2], $0x80, v3, vm0, $0xb8;
	[tilespmem:$0x10100] =	vst v63  }
0x139: {  	_ =	swait.ge [sflag:s23], $0x8000  }
0x13a: {  	[sflag:s23] =	ssyncset.done $0x0  }
0x13b: {  	s0 =	rddreg [dreg:$0x7];
	[sflag:s23] =	ssyncadd.s32 $0xFFFF8000  }
0x13c: {  	[hbm4b:s0+s24] =	stream.strided.scatter [tilespmem:s16], [sflag:$0x3], $0x8000, s25, s24, $0x38;
	[tilespmem:$0x10100] =	vst v63  }
0x13d: {  	s21 =	rddreg [dreg:$0x8];
	s0 =	simm.s32 $0x80  }
0x13e: {  	[tilespmem:s0], [sflag:$0x5] =	stream.linear.gather [hbm4b:s21+s2], $0x80, $0x38;
	[tilespmem:$0x10100] =	vst v63  }
0x13f: {  	_ =	swait.ge [sflag:s6], $0x80  }
0x140: {  	[sflag:s6] =	ssyncset.done $0x0  }
0x141: {  	[sflag:s6] =	ssyncadd.s32 $0xFFFFFF80  }
0x142: {  	_ =	swait.ge [sflag:s19], $0x8000  }
0x143: {  	[sflag:s19] =	ssyncset.done $0x0  }
0x144: {  	[sflag:s19] =	ssyncadd.s32 $0xFFFF8000  }
0x145: {  	v3 =	vld [tilespmem:$0x80];
	_ =	sdelay $0x4  }
0x146: {  	v24 =	vshll.u32 v3, $0x1  }
0x147: {  	v3 =	vand.u32 $0x7, v3;
	v4 =	vand.u32 $0xFFFFFFF0, v24  }
0x148: {  	v3 =	vor.u32 v3, v4  }
0x149: {  	v4 =	vperm.xlane v3, v0;
	_ =	sdelay $0x1  }
0x14a: {  	v3 =	vperm.xlane v3, v2;
	v4 =	vadd.s32 v1, v4;
	_ =	sdelay $0x1  }
0x14b: {  	v3 =	vadd.s32 v1, v3;
	_ =	sdelay $0x2  }
0x14c: {  	[tilespmem:s28], [sflag:$0x2] =	stream.indirect_vreg.gather [hbm4b:s4+s2], $0x80, v4, vm0, $0xb8;
	[tilespmem:$0x10100] =	vst v63  }
0x14d: {  	s31 =	simm.s32 $0x8900  }
0x14e: {  	[tilespmem:s31], [sflag:$0x2] =	stream.indirect_vreg.gather [hbm4b:s4+s2], $0x80, v3, vm0, $0xb8;
	[tilespmem:$0x10100] =	vst v63  }
0x14f: {  	v3 =	vld [tilespmem:$0x90];
	_ =	sdelay $0x4  }
0x150: {  	v25 =	vshll.u32 v3, $0x1  }
0x151: {  	v3 =	vand.u32 $0x7, v3;
	v4 =	vand.u32 $0xFFFFFFF0, v25  }
0x152: {  	v3 =	vor.u32 v3, v4  }
0x153: {  	v4 =	vperm.xlane v3, v0;
	_ =	sdelay $0x1  }
0x154: {  	v3 =	vperm.xlane v3, v2;
	v4 =	vadd.s32 v1, v4;
	_ =	sdelay $0x1  }
0x155: {  	v3 =	vadd.s32 v1, v3;
	_ =	sdelay $0x1  }
0x156: {  	s31 =	simm.s32 $0x9100  }
0x157: {  	[tilespmem:s31], [sflag:$0x2] =	stream.indirect_vreg.gather [hbm4b:s4+s2], $0x80, v4, vm0, $0xb8;
	[tilespmem:$0x10100] =	vst v63  }
0x158: {  	s13 =	simm.s32 $0x9900  }
0x159: {  	[tilespmem:s13], [sflag:$0x2] =	stream.indirect_vreg.gather [hbm4b:s4+s2], $0x80, v3, vm0, $0xb8;
	[tilespmem:$0x10100] =	vst v63  }
0x15a: {  	v3 =	vld [tilespmem:$0xA0];
	_ =	sdelay $0x4  }
0x15b: {  	v26 =	vshll.u32 v3, $0x1  }
0x15c: {  	v3 =	vand.u32 $0x7, v3;
	v4 =	vand.u32 $0xFFFFFFF0, v26  }
0x15d: {  	v3 =	vor.u32 v3, v4  }
0x15e: {  	v4 =	vperm.xlane v3, v0;
	_ =	sdelay $0x1  }
0x15f: {  	v3 =	vperm.xlane v3, v2;
	v4 =	vadd.s32 v1, v4;
	_ =	sdelay $0x1  }
0x160: {  	v3 =	vadd.s32 v1, v3;
	_ =	sdelay $0x1  }
0x161: {  	s21 =	simm.s32 $0xA100  }
0x162: {  	[tilespmem:s21], [sflag:$0x2] =	stream.indirect_vreg.gather [hbm4b:s4+s2], $0x80, v4, vm0, $0xb8;
	[tilespmem:$0x10100] =	vst v63  }
0x163: {  	s14 =	simm.s32 $0xA900  }
0x164: {  	[tilespmem:s14], [sflag:$0x2] =	stream.indirect_vreg.gather [hbm4b:s4+s2], $0x80, v3, vm0, $0xb8;
	[tilespmem:$0x10100] =	vst v63  }
0x165: {  	v3 =	vld [tilespmem:$0xB0];
	_ =	sdelay $0x4  }
0x166: {  	v27 =	vshll.u32 v3, $0x1  }
0x167: {  	v3 =	vand.u32 $0x7, v3;
	v4 =	vand.u32 $0xFFFFFFF0, v27  }
0x168: {  	v3 =	vor.u32 v3, v4  }
0x169: {  	v4 =	vperm.xlane v3, v0;
	_ =	sdelay $0x1  }
0x16a: {  	v3 =	vperm.xlane v3, v2;
	v4 =	vadd.s32 v1, v4;
	_ =	sdelay $0x1  }
0x16b: {  	v3 =	vadd.s32 v1, v3;
	_ =	sdelay $0x1  }
0x16c: {  	s20 =	simm.s32 $0xB100  }
0x16d: {  	[tilespmem:s20], [sflag:$0x2] =	stream.indirect_vreg.gather [hbm4b:s4+s2], $0x80, v4, vm0, $0xb8;
	[tilespmem:$0x10100] =	vst v63  }
0x16e: {  	s15 =	simm.s32 $0xB900  }
0x16f: {  	[tilespmem:s15], [sflag:$0x2] =	stream.indirect_vreg.gather [hbm4b:s4+s2], $0x80, v3, vm0, $0xb8;
	[tilespmem:$0x10100] =	vst v63  }
0x170: {  	v3 =	vld [tilespmem:$0xC0];
	_ =	sdelay $0x4  }
0x171: {  	v28 =	vshll.u32 v3, $0x1  }
0x172: {  	v3 =	vand.u32 $0x7, v3;
	v4 =	vand.u32 $0xFFFFFFF0, v28  }
0x173: {  	v3 =	vor.u32 v3, v4  }
0x174: {  	v4 =	vperm.xlane v3, v0;
	_ =	sdelay $0x1  }
0x175: {  	v3 =	vperm.xlane v3, v2;
	v4 =	vadd.s32 v1, v4;
	_ =	sdelay $0x1  }
0x176: {  	v3 =	vadd.s32 v1, v3;
	_ =	sdelay $0x1  }
0x177: {  	s21 =	simm.s32 $0xC100  }
0x178: {  	[tilespmem:s21], [sflag:$0x2] =	stream.indirect_vreg.gather [hbm4b:s4+s2], $0x80, v4, vm0, $0xb8;
	[tilespmem:$0x10100] =	vst v63  }
0x179: {  	s22 =	simm.s32 $0xC900  }
0x17a: {  	[tilespmem:s22], [sflag:$0x2] =	stream.indirect_vreg.gather [hbm4b:s4+s2], $0x80, v3, vm0, $0xb8;
	[tilespmem:$0x10100] =	vst v63  }
0x17b: {  	v3 =	vld [tilespmem:$0xD0];
	_ =	sdelay $0x4  }
0x17c: {  	v29 =	vshll.u32 v3, $0x1  }
0x17d: {  	v3 =	vand.u32 $0x7, v3;
	v4 =	vand.u32 $0xFFFFFFF0, v29  }
0x17e: {  	v3 =	vor.u32 v3, v4  }
0x17f: {  	v4 =	vperm.xlane v3, v0;
	_ =	sdelay $0x1  }
0x180: {  	v3 =	vperm.xlane v3, v2;
	v4 =	vadd.s32 v1, v4;
	_ =	sdelay $0x1  }
0x181: {  	v3 =	vadd.s32 v1, v3;
	_ =	sdelay $0x1  }
0x182: {  	s22 =	simm.s32 $0xD100  }
0x183: {  	[tilespmem:s22], [sflag:$0x2] =	stream.indirect_vreg.gather [hbm4b:s4+s2], $0x80, v4, vm0, $0xb8;
	[tilespmem:$0x10100] =	vst v63  }
0x184: {  	s26 =	simm.s32 $0xD900  }
0x185: {  	[tilespmem:s26], [sflag:$0x2] =	stream.indirect_vreg.gather [hbm4b:s4+s2], $0x80, v3, vm0, $0xb8;
	[tilespmem:$0x10100] =	vst v63  }
0x186: {  	v3 =	vld [tilespmem:$0xE0];
	_ =	sdelay $0x4  }
0x187: {  	v30 =	vshll.u32 v3, $0x1  }
0x188: {  	v3 =	vand.u32 $0x7, v3;
	v4 =	vand.u32 $0xFFFFFFF0, v30  }
0x189: {  	v3 =	vor.u32 v3, v4  }
0x18a: {  	v4 =	vperm.xlane v3, v0;
	_ =	sdelay $0x1  }
0x18b: {  	v3 =	vperm.xlane v3, v2;
	v4 =	vadd.s32 v1, v4;
	_ =	sdelay $0x1  }
0x18c: {  	v3 =	vadd.s32 v1, v3;
	_ =	sdelay $0x1  }
0x18d: {  	s26 =	simm.s32 $0xE100  }
0x18e: {  	[tilespmem:s26], [sflag:$0x2] =	stream.indirect_vreg.gather [hbm4b:s4+s2], $0x80, v4, vm0, $0xb8;
	[tilespmem:$0x10100] =	vst v63  }
0x18f: {  	s29 =	simm.s32 $0xE900  }
0x190: {  	[tilespmem:s29], [sflag:$0x2] =	stream.indirect_vreg.gather [hbm4b:s4+s2], $0x80, v3, vm0, $0xb8;
	[tilespmem:$0x10100] =	vst v63  }
0x191: {  	v3 =	vld [tilespmem:$0xF0];
	_ =	sdelay $0x4  }
0x192: {  	v31 =	vshll.u32 v3, $0x1  }
0x193: {  	v3 =	vand.u32 $0x7, v3;
	v4 =	vand.u32 $0xFFFFFFF0, v31  }
0x194: {  	v3 =	vor.u32 v3, v4  }
0x195: {  	v4 =	vperm.xlane v3, v0;
	_ =	sdelay $0x1  }
0x196: {  	v3 =	vperm.xlane v3, v2;
	v4 =	vadd.s32 v1, v4;
	_ =	sdelay $0x1  }
0x197: {  	v3 =	vadd.s32 v1, v3;
	_ =	sdelay $0x1  }
0x198: {  	s29 =	simm.s32 $0xF100  }
0x199: {  	[tilespmem:s29], [sflag:$0x2] =	stream.indirect_vreg.gather [hbm4b:s4+s2], $0x80, v4, vm0, $0xb8;
	[tilespmem:$0x10100] =	vst v63  }
0x19a: {  	s30 =	simm.s32 $0xF900  }
0x19b: {  	[tilespmem:s30], [sflag:$0x2] =	stream.indirect_vreg.gather [hbm4b:s4+s2], $0x80, v3, vm0, $0xb8;
	[tilespmem:$0x10100] =	vst v63  }
0x19c: {  	_ =	swait.ge [sflag:s17], $0x8000  }
0x19d: {  	[sflag:s17] =	ssyncset.done $0x0  }
0x19e: {  	s21 =	rddreg [dreg:$0x9];
	[sflag:s17] =	ssyncadd.s32 $0xFFFF8000  }
0x19f: {  	[hbm4b:s21+s24] =	stream.strided.scatter [tilespmem:s28], [sflag:$0x4], $0x8000, s25, s24, $0x38;
	[tilespmem:$0x10100] =	vst v63  }
0x1a0: {  	s30 =	rddreg [dreg:$0xa]  }
0x1a1: {  	[tilespmem:s2], [sflag:$0x5] =	stream.linear.gather [hbm4b:s30+s2], $0x80, $0x38;
	[tilespmem:$0x10100] =	vst v63  }
0x1a2: {  	_ =	swait.ge [sflag:s6], $0x80  }
0x1a3: {  	[sflag:s6] =	ssyncset.done $0x0  }
0x1a4: {  	[sflag:s6] =	ssyncadd.s32 $0xFFFFFF80  }
0x1a5: {  	_ =	swait.ge [sflag:s18], $0x8000  }
0x1a6: {  	[sflag:s18] =	ssyncset.done $0x0  }
0x1a7: {  	[sflag:s18] =	ssyncadd.s32 $0xFFFF8000  }
0x1a8: {  	v3 =	vld [tilespmem:$0x0];
	_ =	sdelay $0x4  }
0x1a9: {  	v32 =	vshll.u32 v3, $0x1  }
0x1aa: {  	v3 =	vand.u32 $0x7, v3;
	v4 =	vand.u32 $0xFFFFFFF0, v32  }
0x1ab: {  	v3 =	vor.u32 v3, v4  }
0x1ac: {  	v4 =	vperm.xlane v3, v0;
	_ =	sdelay $0x1  }
0x1ad: {  	v3 =	vperm.xlane v3, v2;
	v4 =	vadd.s32 v1, v4;
	_ =	sdelay $0x1  }
0x1ae: {  	v3 =	vadd.s32 v1, v3;
	_ =	sdelay $0x2  }
0x1af: {  	[tilespmem:s16], [sflag:$0x1] =	stream.indirect_vreg.gather [hbm4b:s4+s2], $0x80, v4, vm0, $0xb8;
	[tilespmem:$0x10100] =	vst v63  }
0x1b0: {  	s30 =	simm.s32 $0x900  }
0x1b1: {  	[tilespmem:s30], [sflag:$0x1] =	stream.indirect_vreg.gather [hbm4b:s4+s2], $0x80, v3, vm0, $0xb8;
	[tilespmem:$0x10100] =	vst v63  }
0x1b2: {  	v3 =	vld [tilespmem:$0x10];
	_ =	sdelay $0x4  }
0x1b3: {  	v33 =	vshll.u32 v3, $0x1  }
0x1b4: {  	v3 =	vand.u32 $0x7, v3;
	v4 =	vand.u32 $0xFFFFFFF0, v33  }
0x1b5: {  	v3 =	vor.u32 v3, v4  }
0x1b6: {  	v4 =	vperm.xlane v3, v0;
	_ =	sdelay $0x1  }
0x1b7: {  	v3 =	vperm.xlane v3, v2;
	v4 =	vadd.s32 v1, v4;
	_ =	sdelay $0x1  }
0x1b8: {  	v3 =	vadd.s32 v1, v3;
	_ =	sdelay $0x2  }
0x1b9: {  	[tilespmem:s1], [sflag:$0x1] =	stream.indirect_vreg.gather [hbm4b:s4+s2], $0x80, v4, vm0, $0xb8;
	[tilespmem:$0x10100] =	vst v63  }
0x1ba: {  	s21 =	simm.s32 $0x1900  }
0x1bb: {  	[tilespmem:s21], [sflag:$0x1] =	stream.indirect_vreg.gather [hbm4b:s4+s2], $0x80, v3, vm0, $0xb8;
	[tilespmem:$0x10100] =	vst v63  }
0x1bc: {  	v3 =	vld [tilespmem:$0x20];
	_ =	sdelay $0x4  }
0x1bd: {  	v34 =	vshll.u32 v3, $0x1  }
0x1be: {  	v3 =	vand.u32 $0x7, v3;
	v4 =	vand.u32 $0xFFFFFFF0, v34  }
0x1bf: {  	v3 =	vor.u32 v3, v4  }
0x1c0: {  	v4 =	vperm.xlane v3, v0;
	_ =	sdelay $0x1  }
0x1c1: {  	v3 =	vperm.xlane v3, v2;
	v4 =	vadd.s32 v1, v4;
	_ =	sdelay $0x1  }
0x1c2: {  	v3 =	vadd.s32 v1, v3;
	_ =	sdelay $0x1  }
0x1c3: {  	s30 =	simm.s32 $0x2100  }
0x1c4: {  	[tilespmem:s30], [sflag:$0x1] =	stream.indirect_vreg.gather [hbm4b:s4+s2], $0x80, v4, vm0, $0xb8;
	[tilespmem:$0x10100] =	vst v63  }
0x1c5: {  	s21 =	simm.s32 $0x2900  }
0x1c6: {  	[tilespmem:s21], [sflag:$0x1] =	stream.indirect_vreg.gather [hbm4b:s4+s2], $0x80, v3, vm0, $0xb8;
	[tilespmem:$0x10100] =	vst v63  }
0x1c7: {  	v3 =	vld [tilespmem:$0x30];
	_ =	sdelay $0x4  }
0x1c8: {  	v35 =	vshll.u32 v3, $0x1  }
0x1c9: {  	v3 =	vand.u32 $0x7, v3;
	v4 =	vand.u32 $0xFFFFFFF0, v35  }
0x1ca: {  	v3 =	vor.u32 v3, v4  }
0x1cb: {  	v4 =	vperm.xlane v3, v0;
	_ =	sdelay $0x1  }
0x1cc: {  	v3 =	vperm.xlane v3, v2;
	v4 =	vadd.s32 v1, v4;
	_ =	sdelay $0x1  }
0x1cd: {  	v3 =	vadd.s32 v1, v3;
	_ =	sdelay $0x2  }
0x1ce: {  	[tilespmem:s3], [sflag:$0x1] =	stream.indirect_vreg.gather [hbm4b:s4+s2], $0x80, v4, vm0, $0xb8;
	[tilespmem:$0x10100] =	vst v63  }
0x1cf: {  	s30 =	simm.s32 $0x3900  }
0x1d0: {  	[tilespmem:s30], [sflag:$0x1] =	stream.indirect_vreg.gather [hbm4b:s4+s2], $0x80, v3, vm0, $0xb8;
	[tilespmem:$0x10100] =	vst v63  }
0x1d1: {  	v3 =	vld [tilespmem:$0x40];
	_ =	sdelay $0x4  }
0x1d2: {  	v36 =	vshll.u32 v3, $0x1  }
0x1d3: {  	v3 =	vand.u32 $0x7, v3;
	v4 =	vand.u32 $0xFFFFFFF0, v36  }
0x1d4: {  	v3 =	vor.u32 v3, v4  }
0x1d5: {  	v4 =	vperm.xlane v3, v0;
	_ =	sdelay $0x1  }
0x1d6: {  	v3 =	vperm.xlane v3, v2;
	v4 =	vadd.s32 v1, v4;
	_ =	sdelay $0x1  }
0x1d7: {  	v3 =	vadd.s32 v1, v3;
	_ =	sdelay $0x2  }
0x1d8: {  	[tilespmem:s7], [sflag:$0x1] =	stream.indirect_vreg.gather [hbm4b:s4+s2], $0x80, v4, vm0, $0xb8;
	[tilespmem:$0x10100] =	vst v63  }
0x1d9: {  	s21 =	simm.s32 $0x4900  }
0x1da: {  	[tilespmem:s21], [sflag:$0x1] =	stream.indirect_vreg.gather [hbm4b:s4+s2], $0x80, v3, vm0, $0xb8;
	[tilespmem:$0x10100] =	vst v63  }
0x1db: {  	v3 =	vld [tilespmem:$0x50];
	_ =	sdelay $0x4  }
0x1dc: {  	v37 =	vshll.u32 v3, $0x1  }
0x1dd: {  	v3 =	vand.u32 $0x7, v3;
	v4 =	vand.u32 $0xFFFFFFF0, v37  }
0x1de: {  	v3 =	vor.u32 v3, v4  }
0x1df: {  	v4 =	vperm.xlane v3, v0;
	_ =	sdelay $0x1  }
0x1e0: {  	v3 =	vperm.xlane v3, v2;
	v4 =	vadd.s32 v1, v4;
	_ =	sdelay $0x1  }
0x1e1: {  	v3 =	vadd.s32 v1, v3;
	_ =	sdelay $0x2  }
0x1e2: {  	[tilespmem:s8], [sflag:$0x1] =	stream.indirect_vreg.gather [hbm4b:s4+s2], $0x80, v4, vm0, $0xb8;
	[tilespmem:$0x10100] =	vst v63  }
0x1e3: {  	s30 =	simm.s32 $0x5900  }
0x1e4: {  	[tilespmem:s30], [sflag:$0x1] =	stream.indirect_vreg.gather [hbm4b:s4+s2], $0x80, v3, vm0, $0xb8;
	[tilespmem:$0x10100] =	vst v63  }
0x1e5: {  	v3 =	vld [tilespmem:$0x60];
	_ =	sdelay $0x4  }
0x1e6: {  	v38 =	vshll.u32 v3, $0x1  }
0x1e7: {  	v3 =	vand.u32 $0x7, v3;
	v4 =	vand.u32 $0xFFFFFFF0, v38  }
0x1e8: {  	v3 =	vor.u32 v3, v4  }
0x1e9: {  	v4 =	vperm.xlane v3, v0;
	_ =	sdelay $0x1  }
0x1ea: {  	v3 =	vperm.xlane v3, v2;
	v4 =	vadd.s32 v1, v4;
	_ =	sdelay $0x1  }
0x1eb: {  	v3 =	vadd.s32 v1, v3;
	_ =	sdelay $0x2  }
0x1ec: {  	[tilespmem:s9], [sflag:$0x1] =	stream.indirect_vreg.gather [hbm4b:s4+s2], $0x80, v4, vm0, $0xb8;
	[tilespmem:$0x10100] =	vst v63  }
0x1ed: {  	_ = 	snop  }
0x1ee: {  	[tilespmem:s11], [sflag:$0x1] =	stream.indirect_vreg.gather [hbm4b:s4+s2], $0x80, v3, vm0, $0xb8;
	[tilespmem:$0x10100] =	vst v63  }
0x1ef: {  	v3 =	vld [tilespmem:$0x70];
	_ =	sdelay $0x4  }
0x1f0: {  	v39 =	vshll.u32 v3, $0x1  }
0x1f1: {  	v3 =	vand.u32 $0x7, v3;
	v4 =	vand.u32 $0xFFFFFFF0, v39  }
0x1f2: {  	v3 =	vor.u32 v3, v4  }
0x1f3: {  	v4 =	vperm.xlane v3, v0;
	_ =	sdelay $0x1  }
0x1f4: {  	v3 =	vperm.xlane v3, v2;
	v4 =	vadd.s32 v1, v4;
	_ =	sdelay $0x1  }
0x1f5: {  	v3 =	vadd.s32 v1, v3;
	_ =	sdelay $0x2  }
0x1f6: {  	[tilespmem:s10], [sflag:$0x1] =	stream.indirect_vreg.gather [hbm4b:s4+s2], $0x80, v4, vm0, $0xb8;
	[tilespmem:$0x10100] =	vst v63  }
0x1f7: {  	_ = 	snop  }
0x1f8: {  	[tilespmem:s12], [sflag:$0x1] =	stream.indirect_vreg.gather [hbm4b:s4+s2], $0x80, v3, vm0, $0xb8;
	[tilespmem:$0x10100] =	vst v63  }
0x1f9: {  	_ =	swait.ge [sflag:s23], $0x8000  }
0x1fa: {  	[sflag:s23] =	ssyncset.done $0x0  }
0x1fb: {  	s21 =	rddreg [dreg:$0xb];
	[sflag:s23] =	ssyncadd.s32 $0xFFFF8000  }
0x1fc: {  	[hbm4b:s21+s24] =	stream.strided.scatter [tilespmem:s16], [sflag:$0x3], $0x8000, s25, s24, $0x38;
	[tilespmem:$0x10100] =	vst v63  }
0x1fd: {  	s30 =	rddreg [dreg:$0xc]  }
0x1fe: {  	[tilespmem:s0], [sflag:$0x5] =	stream.linear.gather [hbm4b:s30+s2], $0x80, $0x38;
	[tilespmem:$0x10100] =	vst v63  }
0x1ff: {  	_ =	swait.ge [sflag:s6], $0x80  }
0x200: {  	[sflag:s6] =	ssyncset.done $0x0  }
0x201: {  	[sflag:s6] =	ssyncadd.s32 $0xFFFFFF80  }
0x202: {  	_ =	swait.ge [sflag:s19], $0x8000  }
0x203: {  	[sflag:s19] =	ssyncset.done $0x0  }
0x204: {  	[sflag:s19] =	ssyncadd.s32 $0xFFFF8000  }
0x205: {  	v3 =	vld [tilespmem:$0x80];
	_ =	sdelay $0x4  }
0x206: {  	v40 =	vshll.u32 v3, $0x1  }
0x207: {  	v3 =	vand.u32 $0x7, v3;
	v4 =	vand.u32 $0xFFFFFFF0, v40  }
0x208: {  	v3 =	vor.u32 v3, v4  }
0x209: {  	v4 =	vperm.xlane v3, v0;
	_ =	sdelay $0x1  }
0x20a: {  	v3 =	vperm.xlane v3, v2;
	v4 =	vadd.s32 v1, v4;
	_ =	sdelay $0x1  }
0x20b: {  	v3 =	vadd.s32 v1, v3;
	_ =	sdelay $0x2  }
0x20c: {  	[tilespmem:s28], [sflag:$0x2] =	stream.indirect_vreg.gather [hbm4b:s4+s2], $0x80, v4, vm0, $0xb8;
	[tilespmem:$0x10100] =	vst v63  }
0x20d: {  	s30 =	simm.s32 $0x8900  }
0x20e: {  	[tilespmem:s30], [sflag:$0x2] =	stream.indirect_vreg.gather [hbm4b:s4+s2], $0x80, v3, vm0, $0xb8;
	[tilespmem:$0x10100] =	vst v63  }
0x20f: {  	v3 =	vld [tilespmem:$0x90];
	_ =	sdelay $0x4  }
0x210: {  	v41 =	vshll.u32 v3, $0x1  }
0x211: {  	v3 =	vand.u32 $0x7, v3;
	v4 =	vand.u32 $0xFFFFFFF0, v41  }
0x212: {  	v3 =	vor.u32 v3, v4  }
0x213: {  	v4 =	vperm.xlane v3, v0;
	_ =	sdelay $0x1  }
0x214: {  	v3 =	vperm.xlane v3, v2;
	v4 =	vadd.s32 v1, v4;
	_ =	sdelay $0x1  }
0x215: {  	v3 =	vadd.s32 v1, v3;
	_ =	sdelay $0x1  }
0x216: {  	s31 =	simm.s32 $0x9100  }
0x217: {  	[tilespmem:s31], [sflag:$0x2] =	stream.indirect_vreg.gather [hbm4b:s4+s2], $0x80, v4, vm0, $0xb8;
	[tilespmem:$0x10100] =	vst v63  }
0x218: {  	s31 =	simm.s32 $0x9900  }
0x219: {  	[tilespmem:s31], [sflag:$0x2] =	stream.indirect_vreg.gather [hbm4b:s4+s2], $0x80, v3, vm0, $0xb8;
	[tilespmem:$0x10100] =	vst v63  }
0x21a: {  	v3 =	vld [tilespmem:$0xA0];
	_ =	sdelay $0x4  }
0x21b: {  	v42 =	vshll.u32 v3, $0x1  }
0x21c: {  	v3 =	vand.u32 $0x7, v3;
	v4 =	vand.u32 $0xFFFFFFF0, v42  }
0x21d: {  	v3 =	vor.u32 v3, v4  }
0x21e: {  	v4 =	vperm.xlane v3, v0;
	_ =	sdelay $0x1  }
0x21f: {  	v3 =	vperm.xlane v3, v2;
	v4 =	vadd.s32 v1, v4;
	_ =	sdelay $0x1  }
0x220: {  	v3 =	vadd.s32 v1, v3;
	_ =	sdelay $0x1  }
0x221: {  	s13 =	simm.s32 $0xA100  }
0x222: {  	[tilespmem:s13], [sflag:$0x2] =	stream.indirect_vreg.gather [hbm4b:s4+s2], $0x80, v4, vm0, $0xb8;
	[tilespmem:$0x10100] =	vst v63  }
0x223: {  	s21 =	simm.s32 $0xA900  }
0x224: {  	[tilespmem:s21], [sflag:$0x2] =	stream.indirect_vreg.gather [hbm4b:s4+s2], $0x80, v3, vm0, $0xb8;
	[tilespmem:$0x10100] =	vst v63  }
0x225: {  	v3 =	vld [tilespmem:$0xB0];
	_ =	sdelay $0x4  }
0x226: {  	v43 =	vshll.u32 v3, $0x1  }
0x227: {  	v3 =	vand.u32 $0x7, v3;
	v4 =	vand.u32 $0xFFFFFFF0, v43  }
0x228: {  	v3 =	vor.u32 v3, v4  }
0x229: {  	v4 =	vperm.xlane v3, v0;
	_ =	sdelay $0x1  }
0x22a: {  	v3 =	vperm.xlane v3, v2;
	v4 =	vadd.s32 v1, v4;
	_ =	sdelay $0x1  }
0x22b: {  	v3 =	vadd.s32 v1, v3;
	_ =	sdelay $0x1  }
0x22c: {  	s14 =	simm.s32 $0xB100  }
0x22d: {  	[tilespmem:s14], [sflag:$0x2] =	stream.indirect_vreg.gather [hbm4b:s4+s2], $0x80, v4, vm0, $0xb8;
	[tilespmem:$0x10100] =	vst v63  }
0x22e: {  	s20 =	simm.s32 $0xB900  }
0x22f: {  	[tilespmem:s20], [sflag:$0x2] =	stream.indirect_vreg.gather [hbm4b:s4+s2], $0x80, v3, vm0, $0xb8;
	[tilespmem:$0x10100] =	vst v63  }
0x230: {  	v3 =	vld [tilespmem:$0xC0];
	_ =	sdelay $0x4  }
0x231: {  	v44 =	vshll.u32 v3, $0x1  }
0x232: {  	v3 =	vand.u32 $0x7, v3;
	v4 =	vand.u32 $0xFFFFFFF0, v44  }
0x233: {  	v3 =	vor.u32 v3, v4  }
0x234: {  	v4 =	vperm.xlane v3, v0;
	_ =	sdelay $0x1  }
0x235: {  	v3 =	vperm.xlane v3, v2;
	v4 =	vadd.s32 v1, v4;
	_ =	sdelay $0x1  }
0x236: {  	v3 =	vadd.s32 v1, v3;
	_ =	sdelay $0x1  }
0x237: {  	s15 =	simm.s32 $0xC100  }
0x238: {  	[tilespmem:s15], [sflag:$0x2] =	stream.indirect_vreg.gather [hbm4b:s4+s2], $0x80, v4, vm0, $0xb8;
	[tilespmem:$0x10100] =	vst v63  }
0x239: {  	s21 =	simm.s32 $0xC900  }
0x23a: {  	[tilespmem:s21], [sflag:$0x2] =	stream.indirect_vreg.gather [hbm4b:s4+s2], $0x80, v3, vm0, $0xb8;
	[tilespmem:$0x10100] =	vst v63  }
0x23b: {  	v3 =	vld [tilespmem:$0xD0];
	_ =	sdelay $0x4  }
0x23c: {  	v45 =	vshll.u32 v3, $0x1  }
0x23d: {  	v3 =	vand.u32 $0x7, v3;
	v4 =	vand.u32 $0xFFFFFFF0, v45  }
0x23e: {  	v3 =	vor.u32 v3, v4  }
0x23f: {  	v4 =	vperm.xlane v3, v0;
	_ =	sdelay $0x1  }
0x240: {  	v3 =	vperm.xlane v3, v2;
	v4 =	vadd.s32 v1, v4;
	_ =	sdelay $0x1  }
0x241: {  	v3 =	vadd.s32 v1, v3;
	_ =	sdelay $0x1  }
0x242: {  	s22 =	simm.s32 $0xD100  }
0x243: {  	[tilespmem:s22], [sflag:$0x2] =	stream.indirect_vreg.gather [hbm4b:s4+s2], $0x80, v4, vm0, $0xb8;
	[tilespmem:$0x10100] =	vst v63  }
0x244: {  	s22 =	simm.s32 $0xD900  }
0x245: {  	[tilespmem:s22], [sflag:$0x2] =	stream.indirect_vreg.gather [hbm4b:s4+s2], $0x80, v3, vm0, $0xb8;
	[tilespmem:$0x10100] =	vst v63  }
0x246: {  	v3 =	vld [tilespmem:$0xE0];
	_ =	sdelay $0x4  }
0x247: {  	v46 =	vshll.u32 v3, $0x1  }
0x248: {  	v3 =	vand.u32 $0x7, v3;
	v4 =	vand.u32 $0xFFFFFFF0, v46  }
0x249: {  	v3 =	vor.u32 v3, v4  }
0x24a: {  	v4 =	vperm.xlane v3, v0;
	_ =	sdelay $0x1  }
0x24b: {  	v3 =	vperm.xlane v3, v2;
	v4 =	vadd.s32 v1, v4;
	_ =	sdelay $0x1  }
0x24c: {  	v3 =	vadd.s32 v1, v3;
	_ =	sdelay $0x1  }
0x24d: {  	s26 =	simm.s32 $0xE100  }
0x24e: {  	[tilespmem:s26], [sflag:$0x2] =	stream.indirect_vreg.gather [hbm4b:s4+s2], $0x80, v4, vm0, $0xb8;
	[tilespmem:$0x10100] =	vst v63  }
0x24f: {  	s26 =	simm.s32 $0xE900  }
0x250: {  	[tilespmem:s26], [sflag:$0x2] =	stream.indirect_vreg.gather [hbm4b:s4+s2], $0x80, v3, vm0, $0xb8;
	[tilespmem:$0x10100] =	vst v63  }
0x251: {  	v3 =	vld [tilespmem:$0xF0];
	_ =	sdelay $0x4  }
0x252: {  	v47 =	vshll.u32 v3, $0x1  }
0x253: {  	v3 =	vand.u32 $0x7, v3;
	v4 =	vand.u32 $0xFFFFFFF0, v47  }
0x254: {  	v3 =	vor.u32 v3, v4  }
0x255: {  	v4 =	vperm.xlane v3, v0;
	_ =	sdelay $0x1  }
0x256: {  	v3 =	vperm.xlane v3, v2;
	v4 =	vadd.s32 v1, v4;
	_ =	sdelay $0x1  }
0x257: {  	v3 =	vadd.s32 v1, v3;
	_ =	sdelay $0x1  }
0x258: {  	s29 =	simm.s32 $0xF100  }
0x259: {  	[tilespmem:s29], [sflag:$0x2] =	stream.indirect_vreg.gather [hbm4b:s4+s2], $0x80, v4, vm0, $0xb8;
	[tilespmem:$0x10100] =	vst v63  }
0x25a: {  	s29 =	simm.s32 $0xF900  }
0x25b: {  	[tilespmem:s29], [sflag:$0x2] =	stream.indirect_vreg.gather [hbm4b:s4+s2], $0x80, v3, vm0, $0xb8;
	[tilespmem:$0x10100] =	vst v63  }
0x25c: {  	_ =	swait.ge [sflag:s17], $0x8000  }
0x25d: {  	[sflag:s17] =	ssyncset.done $0x0  }
0x25e: {  	s20 =	rddreg [dreg:$0xd];
	[sflag:s17] =	ssyncadd.s32 $0xFFFF8000  }
0x25f: {  	[hbm4b:s20+s24] =	stream.strided.scatter [tilespmem:s28], [sflag:$0x4], $0x8000, s25, s24, $0x38;
	[tilespmem:$0x10100] =	vst v63  }
0x260: {  	s21 =	rddreg [dreg:$0xe]  }
0x261: {  	[tilespmem:s2], [sflag:$0x5] =	stream.linear.gather [hbm4b:s21+s2], $0x80, $0x38;
	[tilespmem:$0x10100] =	vst v63  }
0x262: {  	_ =	swait.ge [sflag:s6], $0x80  }
0x263: {  	[sflag:s6] =	ssyncset.done $0x0  }
0x264: {  	[sflag:s6] =	ssyncadd.s32 $0xFFFFFF80  }
0x265: {  	_ =	swait.ge [sflag:s18], $0x8000  }
0x266: {  	[sflag:s18] =	ssyncset.done $0x0  }
0x267: {  	[sflag:s18] =	ssyncadd.s32 $0xFFFF8000  }
0x268: {  	v3 =	vld [tilespmem:$0x0];
	_ =	sdelay $0x4  }
0x269: {  	v48 =	vshll.u32 v3, $0x1  }
0x26a: {  	v3 =	vand.u32 $0x7, v3;
	v4 =	vand.u32 $0xFFFFFFF0, v48  }
0x26b: {  	v3 =	vor.u32 v3, v4  }
0x26c: {  	v4 =	vperm.xlane v3, v0;
	_ =	sdelay $0x1  }
0x26d: {  	v3 =	vperm.xlane v3, v2;
	v4 =	vadd.s32 v1, v4;
	_ =	sdelay $0x1  }
0x26e: {  	v3 =	vadd.s32 v1, v3;
	_ =	sdelay $0x2  }
0x26f: {  	[tilespmem:s16], [sflag:$0x1] =	stream.indirect_vreg.gather [hbm4b:s4+s2], $0x80, v4, vm0, $0xb8;
	[tilespmem:$0x10100] =	vst v63  }
0x270: {  	s21 =	simm.s32 $0x900  }
0x271: {  	[tilespmem:s21], [sflag:$0x1] =	stream.indirect_vreg.gather [hbm4b:s4+s2], $0x80, v3, vm0, $0xb8;
	[tilespmem:$0x10100] =	vst v63  }
0x272: {  	v3 =	vld [tilespmem:$0x10];
	_ =	sdelay $0x4  }
0x273: {  	v49 =	vshll.u32 v3, $0x1  }
0x274: {  	v3 =	vand.u32 $0x7, v3;
	v4 =	vand.u32 $0xFFFFFFF0, v49  }
0x275: {  	v3 =	vor.u32 v3, v4  }
0x276: {  	v4 =	vperm.xlane v3, v0;
	_ =	sdelay $0x1  }
0x277: {  	v3 =	vperm.xlane v3, v2;
	v4 =	vadd.s32 v1, v4;
	_ =	sdelay $0x1  }
0x278: {  	v3 =	vadd.s32 v1, v3;
	_ =	sdelay $0x1  }
0x279: {  	s1 =	simm.s32 $0x1100  }
0x27a: {  	[tilespmem:s1], [sflag:$0x1] =	stream.indirect_vreg.gather [hbm4b:s4+s2], $0x80, v4, vm0, $0xb8;
	[tilespmem:$0x10100] =	vst v63  }
0x27b: {  	s20 =	simm.s32 $0x1900  }
0x27c: {  	[tilespmem:s20], [sflag:$0x1] =	stream.indirect_vreg.gather [hbm4b:s4+s2], $0x80, v3, vm0, $0xb8;
	[tilespmem:$0x10100] =	vst v63  }
0x27d: {  	v3 =	vld [tilespmem:$0x20];
	_ =	sdelay $0x4  }
0x27e: {  	v50 =	vshll.u32 v3, $0x1  }
0x27f: {  	v3 =	vand.u32 $0x7, v3;
	v4 =	vand.u32 $0xFFFFFFF0, v50  }
0x280: {  	v3 =	vor.u32 v3, v4  }
0x281: {  	v4 =	vperm.xlane v3, v0;
	_ =	sdelay $0x1  }
0x282: {  	v3 =	vperm.xlane v3, v2;
	v4 =	vadd.s32 v1, v4;
	_ =	sdelay $0x1  }
0x283: {  	v3 =	vadd.s32 v1, v3;
	_ =	sdelay $0x1  }
0x284: {  	s21 =	simm.s32 $0x2100  }
0x285: {  	[tilespmem:s21], [sflag:$0x1] =	stream.indirect_vreg.gather [hbm4b:s4+s2], $0x80, v4, vm0, $0xb8;
	[tilespmem:$0x10100] =	vst v63  }
0x286: {  	s20 =	simm.s32 $0x2900  }
0x287: {  	[tilespmem:s20], [sflag:$0x1] =	stream.indirect_vreg.gather [hbm4b:s4+s2], $0x80, v3, vm0, $0xb8;
	[tilespmem:$0x10100] =	vst v63  }
0x288: {  	v3 =	vld [tilespmem:$0x30];
	_ =	sdelay $0x4  }
0x289: {  	v51 =	vshll.u32 v3, $0x1  }
0x28a: {  	v3 =	vand.u32 $0x7, v3;
	v4 =	vand.u32 $0xFFFFFFF0, v51  }
0x28b: {  	v3 =	vor.u32 v3, v4  }
0x28c: {  	v4 =	vperm.xlane v3, v0;
	_ =	sdelay $0x1  }
0x28d: {  	v3 =	vperm.xlane v3, v2;
	v4 =	vadd.s32 v1, v4;
	_ =	sdelay $0x1  }
0x28e: {  	v3 =	vadd.s32 v1, v3;
	_ =	sdelay $0x1  }
0x28f: {  	s3 =	simm.s32 $0x3100  }
0x290: {  	[tilespmem:s3], [sflag:$0x1] =	stream.indirect_vreg.gather [hbm4b:s4+s2], $0x80, v4, vm0, $0xb8;
	[tilespmem:$0x10100] =	vst v63  }
0x291: {  	s21 =	simm.s32 $0x3900  }
0x292: {  	[tilespmem:s21], [sflag:$0x1] =	stream.indirect_vreg.gather [hbm4b:s4+s2], $0x80, v3, vm0, $0xb8;
	[tilespmem:$0x10100] =	vst v63  }
0x293: {  	v3 =	vld [tilespmem:$0x40];
	_ =	sdelay $0x4  }
0x294: {  	v52 =	vshll.u32 v3, $0x1  }
0x295: {  	v3 =	vand.u32 $0x7, v3;
	v4 =	vand.u32 $0xFFFFFFF0, v52  }
0x296: {  	v3 =	vor.u32 v3, v4  }
0x297: {  	v4 =	vperm.xlane v3, v0;
	_ =	sdelay $0x1  }
0x298: {  	v3 =	vperm.xlane v3, v2;
	v4 =	vadd.s32 v1, v4;
	_ =	sdelay $0x1  }
0x299: {  	v3 =	vadd.s32 v1, v3;
	_ =	sdelay $0x1  }
0x29a: {  	s7 =	simm.s32 $0x4100  }
0x29b: {  	[tilespmem:s7], [sflag:$0x1] =	stream.indirect_vreg.gather [hbm4b:s4+s2], $0x80, v4, vm0, $0xb8;
	[tilespmem:$0x10100] =	vst v63  }
0x29c: {  	s3 =	simm.s32 $0x4900  }
0x29d: {  	[tilespmem:s3], [sflag:$0x1] =	stream.indirect_vreg.gather [hbm4b:s4+s2], $0x80, v3, vm0, $0xb8;
	[tilespmem:$0x10100] =	vst v63  }
0x29e: {  	v3 =	vld [tilespmem:$0x50];
	_ =	sdelay $0x4  }
0x29f: {  	v53 =	vshll.u32 v3, $0x1  }
0x2a0: {  	v3 =	vand.u32 $0x7, v3;
	v4 =	vand.u32 $0xFFFFFFF0, v53  }
0x2a1: {  	v3 =	vor.u32 v3, v4  }
0x2a2: {  	v4 =	vperm.xlane v3, v0;
	_ =	sdelay $0x1  }
0x2a3: {  	v3 =	vperm.xlane v3, v2;
	v4 =	vadd.s32 v1, v4;
	_ =	sdelay $0x1  }
0x2a4: {  	v3 =	vadd.s32 v1, v3;
	_ =	sdelay $0x1  }
0x2a5: {  	s8 =	simm.s32 $0x5100  }
0x2a6: {  	[tilespmem:s8], [sflag:$0x1] =	stream.indirect_vreg.gather [hbm4b:s4+s2], $0x80, v4, vm0, $0xb8;
	[tilespmem:$0x10100] =	vst v63  }
0x2a7: {  	s7 =	simm.s32 $0x5900  }
0x2a8: {  	[tilespmem:s7], [sflag:$0x1] =	stream.indirect_vreg.gather [hbm4b:s4+s2], $0x80, v3, vm0, $0xb8;
	[tilespmem:$0x10100] =	vst v63  }
0x2a9: {  	v3 =	vld [tilespmem:$0x60];
	_ =	sdelay $0x4  }
0x2aa: {  	v54 =	vshll.u32 v3, $0x1  }
0x2ab: {  	v3 =	vand.u32 $0x7, v3;
	v4 =	vand.u32 $0xFFFFFFF0, v54  }
0x2ac: {  	v3 =	vor.u32 v3, v4  }
0x2ad: {  	v4 =	vperm.xlane v3, v0;
	_ =	sdelay $0x1  }
0x2ae: {  	v3 =	vperm.xlane v3, v2;
	v4 =	vadd.s32 v1, v4;
	_ =	sdelay $0x1  }
0x2af: {  	v3 =	vadd.s32 v1, v3;
	_ =	sdelay $0x1  }
0x2b0: {  	s9 =	simm.s32 $0x6100  }
0x2b1: {  	[tilespmem:s9], [sflag:$0x1] =	stream.indirect_vreg.gather [hbm4b:s4+s2], $0x80, v4, vm0, $0xb8;
	[tilespmem:$0x10100] =	vst v63  }
0x2b2: {  	s11 =	simm.s32 $0x6900  }
0x2b3: {  	[tilespmem:s11], [sflag:$0x1] =	stream.indirect_vreg.gather [hbm4b:s4+s2], $0x80, v3, vm0, $0xb8;
	[tilespmem:$0x10100] =	vst v63  }
0x2b4: {  	v3 =	vld [tilespmem:$0x70];
	_ =	sdelay $0x4  }
0x2b5: {  	v55 =	vshll.u32 v3, $0x1  }
0x2b6: {  	v3 =	vand.u32 $0x7, v3;
	v4 =	vand.u32 $0xFFFFFFF0, v55  }
0x2b7: {  	v3 =	vor.u32 v3, v4  }
0x2b8: {  	v4 =	vperm.xlane v3, v0;
	_ =	sdelay $0x1  }
0x2b9: {  	v3 =	vperm.xlane v3, v2;
	v4 =	vadd.s32 v1, v4;
	_ =	sdelay $0x1  }
0x2ba: {  	v3 =	vadd.s32 v1, v3;
	_ =	sdelay $0x1  }
0x2bb: {  	s10 =	simm.s32 $0x7100  }
0x2bc: {  	[tilespmem:s10], [sflag:$0x1] =	stream.indirect_vreg.gather [hbm4b:s4+s2], $0x80, v4, vm0, $0xb8;
	[tilespmem:$0x10100] =	vst v63  }
0x2bd: {  	s12 =	simm.s32 $0x7900  }
0x2be: {  	[tilespmem:s12], [sflag:$0x1] =	stream.indirect_vreg.gather [hbm4b:s4+s2], $0x80, v3, vm0, $0xb8;
	[tilespmem:$0x10100] =	vst v63  }
0x2bf: {  	_ =	swait.ge [sflag:s23], $0x8000  }
0x2c0: {  	[sflag:s23] =	ssyncset.done $0x0  }
0x2c1: {  	s8 =	rddreg [dreg:$0xf];
	[sflag:s23] =	ssyncadd.s32 $0xFFFF8000  }
0x2c2: {  	[hbm4b:s8+s24] =	stream.strided.scatter [tilespmem:s16], [sflag:$0x3], $0x8000, s25, s24, $0x38;
	[tilespmem:$0x10100] =	vst v63  }
0x2c3: {  	s0 =	simm.s32 $0x80;
	s9 =	rddreg [dreg:$0x10]  }
0x2c4: {  	[tilespmem:s0], [sflag:$0x5] =	stream.linear.gather [hbm4b:s9+s2], $0x80, $0x38;
	[tilespmem:$0x10100] =	vst v63  }
0x2c5: {  	_ =	swait.ge [sflag:s6], $0x80  }
0x2c6: {  	[sflag:s6] =	ssyncset.done $0x0  }
0x2c7: {  	[sflag:s6] =	ssyncadd.s32 $0xFFFFFF80  }
0x2c8: {  	_ =	swait.ge [sflag:s19], $0x8000  }
0x2c9: {  	[sflag:s19] =	ssyncset.done $0x0  }
0x2ca: {  	[sflag:s19] =	ssyncadd.s32 $0xFFFF8000  }
0x2cb: {  	v3 =	vld [tilespmem:$0x80];
	_ =	sdelay $0x4  }
0x2cc: {  	v56 =	vshll.u32 v3, $0x1  }
0x2cd: {  	v3 =	vand.u32 $0x7, v3;
	v4 =	vand.u32 $0xFFFFFFF0, v56  }
0x2ce: {  	v3 =	vor.u32 v3, v4  }
0x2cf: {  	v4 =	vperm.xlane v3, v0;
	_ =	sdelay $0x1  }
0x2d0: {  	v3 =	vperm.xlane v3, v2;
	v4 =	vadd.s32 v1, v4;
	_ =	sdelay $0x1  }
0x2d1: {  	v3 =	vadd.s32 v1, v3;
	_ =	sdelay $0x2  }
0x2d2: {  	[tilespmem:s28], [sflag:$0x2] =	stream.indirect_vreg.gather [hbm4b:s4+s2], $0x80, v4, vm0, $0xb8;
	[tilespmem:$0x10100] =	vst v63  }
0x2d3: {  	s10 =	simm.s32 $0x8900  }
0x2d4: {  	[tilespmem:s10], [sflag:$0x2] =	stream.indirect_vreg.gather [hbm4b:s4+s2], $0x80, v3, vm0, $0xb8;
	[tilespmem:$0x10100] =	vst v63  }
0x2d5: {  	v3 =	vld [tilespmem:$0x90];
	_ =	sdelay $0x4  }
0x2d6: {  	v57 =	vshll.u32 v3, $0x1  }
0x2d7: {  	v3 =	vand.u32 $0x7, v3;
	v4 =	vand.u32 $0xFFFFFFF0, v57  }
0x2d8: {  	v3 =	vor.u32 v3, v4  }
0x2d9: {  	v4 =	vperm.xlane v3, v0;
	_ =	sdelay $0x1  }
0x2da: {  	v3 =	vperm.xlane v3, v2;
	v4 =	vadd.s32 v1, v4;
	_ =	sdelay $0x1  }
0x2db: {  	v3 =	vadd.s32 v1, v3;
	_ =	sdelay $0x1  }
0x2dc: {  	s30 =	simm.s32 $0x9100  }
0x2dd: {  	[tilespmem:s30], [sflag:$0x2] =	stream.indirect_vreg.gather [hbm4b:s4+s2], $0x80, v4, vm0, $0xb8;
	[tilespmem:$0x10100] =	vst v63  }
0x2de: {  	s11 =	simm.s32 $0x9900  }
0x2df: {  	[tilespmem:s11], [sflag:$0x2] =	stream.indirect_vreg.gather [hbm4b:s4+s2], $0x80, v3, vm0, $0xb8;
	[tilespmem:$0x10100] =	vst v63  }
0x2e0: {  	v3 =	vld [tilespmem:$0xA0];
	_ =	sdelay $0x4  }
0x2e1: {  	v58 =	vshll.u32 v3, $0x1  }
0x2e2: {  	v3 =	vand.u32 $0x7, v3;
	v4 =	vand.u32 $0xFFFFFFF0, v58  }
0x2e3: {  	v3 =	vor.u32 v3, v4  }
0x2e4: {  	v4 =	vperm.xlane v3, v0;
	_ =	sdelay $0x1  }
0x2e5: {  	v3 =	vperm.xlane v3, v2;
	v4 =	vadd.s32 v1, v4;
	_ =	sdelay $0x1  }
0x2e6: {  	v3 =	vadd.s32 v1, v3;
	_ =	sdelay $0x1  }
0x2e7: {  	s31 =	simm.s32 $0xA100  }
0x2e8: {  	[tilespmem:s31], [sflag:$0x2] =	stream.indirect_vreg.gather [hbm4b:s4+s2], $0x80, v4, vm0, $0xb8;
	[tilespmem:$0x10100] =	vst v63  }
0x2e9: {  	s12 =	simm.s32 $0xA900  }
0x2ea: {  	[tilespmem:s12], [sflag:$0x2] =	stream.indirect_vreg.gather [hbm4b:s4+s2], $0x80, v3, vm0, $0xb8;
	[tilespmem:$0x10100] =	vst v63  }
0x2eb: {  	v3 =	vld [tilespmem:$0xB0];
	_ =	sdelay $0x4  }
0x2ec: {  	v59 =	vshll.u32 v3, $0x1  }
0x2ed: {  	v3 =	vand.u32 $0x7, v3;
	v4 =	vand.u32 $0xFFFFFFF0, v59  }
0x2ee: {  	v3 =	vor.u32 v3, v4  }
0x2ef: {  	v4 =	vperm.xlane v3, v0;
	_ =	sdelay $0x1  }
0x2f0: {  	v3 =	vperm.xlane v3, v2;
	v4 =	vadd.s32 v1, v4;
	_ =	sdelay $0x1  }
0x2f1: {  	v3 =	vadd.s32 v1, v3;
	_ =	sdelay $0x1  }
0x2f2: {  	s13 =	simm.s32 $0xB100  }
0x2f3: {  	[tilespmem:s13], [sflag:$0x2] =	stream.indirect_vreg.gather [hbm4b:s4+s2], $0x80, v4, vm0, $0xb8;
	[tilespmem:$0x10100] =	vst v63  }
0x2f4: {  	s13 =	simm.s32 $0xB900  }
0x2f5: {  	[tilespmem:s13], [sflag:$0x2] =	stream.indirect_vreg.gather [hbm4b:s4+s2], $0x80, v3, vm0, $0xb8;
	[tilespmem:$0x10100] =	vst v63  }
0x2f6: {  	v3 =	vld [tilespmem:$0xC0];
	_ =	sdelay $0x4  }
0x2f7: {  	v60 =	vshll.u32 v3, $0x1  }
0x2f8: {  	v3 =	vand.u32 $0x7, v3;
	v4 =	vand.u32 $0xFFFFFFF0, v60  }
0x2f9: {  	v3 =	vor.u32 v3, v4  }
0x2fa: {  	v4 =	vperm.xlane v3, v0;
	_ =	sdelay $0x1  }
0x2fb: {  	v3 =	vperm.xlane v3, v2;
	v4 =	vadd.s32 v1, v4;
	_ =	sdelay $0x1  }
0x2fc: {  	v3 =	vadd.s32 v1, v3;
	_ =	sdelay $0x1  }
0x2fd: {  	s14 =	simm.s32 $0xC100  }
0x2fe: {  	[tilespmem:s14], [sflag:$0x2] =	stream.indirect_vreg.gather [hbm4b:s4+s2], $0x80, v4, vm0, $0xb8;
	[tilespmem:$0x10100] =	vst v63  }
0x2ff: {  	s20 =	simm.s32 $0xC900  }
0x300: {  	[tilespmem:s20], [sflag:$0x2] =	stream.indirect_vreg.gather [hbm4b:s4+s2], $0x80, v3, vm0, $0xb8;
	[tilespmem:$0x10100] =	vst v63  }
0x301: {  	v3 =	vld [tilespmem:$0xD0];
	_ =	sdelay $0x4  }
0x302: {  	v61 =	vshll.u32 v3, $0x1  }
0x303: {  	v3 =	vand.u32 $0x7, v3;
	v4 =	vand.u32 $0xFFFFFFF0, v61  }
0x304: {  	v3 =	vor.u32 v3, v4  }
0x305: {  	v4 =	vperm.xlane v3, v0;
	_ =	sdelay $0x1  }
0x306: {  	v3 =	vperm.xlane v3, v2;
	v4 =	vadd.s32 v1, v4;
	_ =	sdelay $0x1  }
0x307: {  	v3 =	vadd.s32 v1, v3;
	_ =	sdelay $0x1  }
0x308: {  	s15 =	simm.s32 $0xD100  }
0x309: {  	[tilespmem:s15], [sflag:$0x2] =	stream.indirect_vreg.gather [hbm4b:s4+s2], $0x80, v4, vm0, $0xb8;
	[tilespmem:$0x10100] =	vst v63  }
0x30a: {  	s21 =	simm.s32 $0xD900  }
0x30b: {  	[tilespmem:s21], [sflag:$0x2] =	stream.indirect_vreg.gather [hbm4b:s4+s2], $0x80, v3, vm0, $0xb8;
	[tilespmem:$0x10100] =	vst v63  }
0x30c: {  	v3 =	vld [tilespmem:$0xE0];
	_ =	sdelay $0x4  }
0x30d: {  	v62 =	vshll.u32 v3, $0x1  }
0x30e: {  	v3 =	vand.u32 $0x7, v3;
	v4 =	vand.u32 $0xFFFFFFF0, v62  }
0x30f: {  	v3 =	vor.u32 v3, v4  }
0x310: {  	v4 =	vperm.xlane v3, v0;
	_ =	sdelay $0x1  }
0x311: {  	v3 =	vperm.xlane v3, v2;
	v4 =	vadd.s32 v1, v4;
	_ =	sdelay $0x1  }
0x312: {  	v3 =	vadd.s32 v1, v3;
	_ =	sdelay $0x1  }
0x313: {  	s22 =	simm.s32 $0xE100  }
0x314: {  	[tilespmem:s22], [sflag:$0x2] =	stream.indirect_vreg.gather [hbm4b:s4+s2], $0x80, v4, vm0, $0xb8;
	[tilespmem:$0x10100] =	vst v63  }
0x315: {  	s30 =	simm.s32 $0xE900  }
0x316: {  	[tilespmem:s30], [sflag:$0x2] =	stream.indirect_vreg.gather [hbm4b:s4+s2], $0x80, v3, vm0, $0xb8;
	[tilespmem:$0x10100] =	vst v63  }
0x317: {  	v3 =	vld [tilespmem:$0xF0];
	_ =	sdelay $0x4  }
0x318: {  	v63 =	vshll.u32 v3, $0x1  }
0x319: {  	v3 =	vand.u32 $0x7, v3;
	v4 =	vand.u32 $0xFFFFFFF0, v63  }
0x31a: {  	v3 =	vor.u32 v3, v4  }
0x31b: {  	v4 =	vperm.xlane v3, v0;
	_ =	sdelay $0x1  }
0x31c: {  	v3 =	vperm.xlane v3, v2;
	v4 =	vadd.s32 v1, v4;
	_ =	sdelay $0x1  }
0x31d: {  	v3 =	vadd.s32 v1, v3;
	_ =	sdelay $0x1  }
0x31e: {  	s26 =	simm.s32 $0xF100  }
0x31f: {  	[tilespmem:s26], [sflag:$0x2] =	stream.indirect_vreg.gather [hbm4b:s4+s2], $0x80, v4, vm0, $0xb8;
	[tilespmem:$0x10100] =	vst v63  }
0x320: {  	s29 =	simm.s32 $0xF900  }
0x321: {  	[tilespmem:s29], [sflag:$0x2] =	stream.indirect_vreg.gather [hbm4b:s4+s2], $0x80, v3, vm0, $0xb8;
	[tilespmem:$0x10100] =	vst v63  }
0x322: {  	_ =	swait.ge [sflag:s17], $0x8000  }
0x323: {  	[sflag:s17] =	ssyncset.done $0x0  }
0x324: {  	s31 =	rddreg [dreg:$0x11];
	[sflag:s17] =	ssyncadd.s32 $0xFFFF8000  }
0x325: {  	[hbm4b:s31+s24] =	stream.strided.scatter [tilespmem:s28], [sflag:$0x4], $0x8000, s25, s24, $0x38;
	[tilespmem:$0x10100] =	vst v63  }
0x326: {  	p0 =	sne.s32 s5, $0x1;
	_ =	swait.ge [sflag:s18], $0x8000  }
.Ltmp0:
0x327: {  	[sflag:s18] =	ssyncset.done $0x0;
	(pc) =	sbr.rel @p0 .LBB2_1-.Ltmp0, $4  }
0x328: {  	[sflag:s18] =	ssyncadd.s32 $0xFFFF8000  }
0x329: {  	_ =	swait.ge [sflag:s19], $0x8000  }
0x32a: {  	[sflag:s19] =	ssyncset.done $0x0  }
0x32b: {  	s5 =	sadd.s32 $0xFFFFFFFF, s5;
	[sflag:s19] =	ssyncadd.s32 $0xFFFF8000  }
0x32c: {  	_ =	sfence.sel $0x180000  }
0x32d: {  	[bflag:$0x0] =	sbarrier.arrive $0xFFFF  }
0x32e: {  	_ =	strace $0x90000047  }
0x32f: {  	s0 =	stileid.u32;
	[bflag:$0x2] =	sbarrier.arrive $0xFFFF  }
0x330: {  	p0 =	sne.s32 s0, $0x0;
	s0 =	rddreg [dreg:$0x2]  }
0x331: {  	s0 =	sadd.s32 @!p0 $0x100000, s0  }
0x332: {  	[sflag:s0] =	ssyncadd.tile.s32 @!p0 $0x1;
	_ =	shalt  }
.Lfunc_end2:
_tile_overlayer_lowered:
.L_overlay_start_2:
0x333: {  	(tag) =	ssettag $0x2  }
0x334: {  	s0 =	rddreg [dreg:$0x0];
	s2 =	stileid.u32  }
0x335: {  	s1 =	rddreg [dreg:$0x1];
	p0 =	sne.s32 s2, $0x0  }
0x336: {  	s3 =	rddreg [dreg:$0x2];
	[bflag:$0x3] =	sbarrier.arrive $0xFFFF;
	s2 =	simm.s32 @!p0 $0x1C05  }
0x337: {  	[timem:s3], [sflag:s2] =	dma.local @!p0 [hbm:s0], s1  }
0x338: {  	s0 =	simm.s32 @!p0 $0x5  }
0x339: {  	_ =	swait.ge @!p0 [sflag:s0], s1  }
0x33a: {  	s1 =	ssub.s32 @!p0 $0x0, s1;
	[sflag:s0] =	ssyncset.done @!p0 $0x0  }
0x33b: {  	[sflag:s0] =	ssyncadd.s32 @!p0 s1  }
0x33c: {  	[bflag:$0x3] =	sbarrier.arrive $0xFFFF  }
0x33d: {  	_ =	shalt  }

</sc_bundles>
